<compile_context>
chip_gen: v7x
topology: tpu7x:2x2x1
jax: 0.10.2.dev20260603
libtpu: 0.0.44.dev20260713+nightly
codegen_flags: <defaults>
</compile_context>

<pallas_src>
import functools

import jax
import jax.numpy as jnp
from jax import lax
from jax.experimental import pallas as pl

_EPS = 1e-5
_K = 32


def _lrelu(x):
    return jnp.maximum(x, 0.2 * x)


def _knn_idx(x, k):
    inner = -2.0 * jnp.einsum('bcn,bcm->bnm', x, x)
    xx = jnp.sum(x * x, axis=1, keepdims=True)
    pair = -jnp.transpose(xx, (0, 2, 1)) - inner - xx
    return jax.lax.top_k(pair, k)[1]


def _graph_feature(x, k):
    b, c, n = x.shape
    idx = _knn_idx(x, k)
    xt = jnp.transpose(x, (0, 2, 1))
    nb = jnp.take_along_axis(xt, idx.reshape(b, n * k, 1), axis=1).reshape(b, n, k, c)
    xi = jnp.broadcast_to(xt[:, :, None, :], (b, n, k, c))
    f = jnp.concatenate([nb - xi, xi], axis=-1)
    return jnp.transpose(f, (0, 3, 1, 2))


def _bn2d(x):
    m = jnp.mean(x, axis=(0, 2, 3), keepdims=True)
    v = jnp.var(x, axis=(0, 2, 3), keepdims=True)
    return (x - m) / jnp.sqrt(v + _EPS)


def _bn1d(x):
    m = jnp.mean(x, axis=(0, 2), keepdims=True)
    v = jnp.var(x, axis=(0, 2), keepdims=True)
    return (x - m) / jnp.sqrt(v + _EPS)


def _conv2(x, w):
    return jnp.einsum('bcnk,oc->bonk', x, w)


def _conv1(x, w):
    return jnp.einsum('bcn,oc->bon', x, w)


def _sel_pool(xyz, feat, n_out, ws):
    scores = jnp.einsum('bcn,c->bn', feat, ws)
    values, idx = jax.lax.top_k(scores, n_out)
    gate = jax.nn.sigmoid(values)
    nf = jnp.take_along_axis(feat, idx[:, None, :], axis=2) * gate[:, None, :]
    ns = jnp.take_along_axis(xyz, idx[:, None, :], axis=2)
    return nf, scores, ns


def _aggregate(xyz, nodes, feat, k):
    inner = -2.0 * jnp.einsum('bcm,bcn->bmn', nodes, xyz)
    d = (-jnp.sum(nodes * nodes, axis=1)[:, :, None] - inner
         - jnp.sum(xyz * xyz, axis=1)[:, None, :])
    idx = jax.lax.top_k(d, k)[1]
    b, m, _ = idx.shape
    ft = jnp.transpose(feat, (0, 2, 1))
    c = ft.shape[-1]
    nb = jnp.take_along_axis(ft, idx.reshape(b, m * k, 1), axis=1).reshape(b, m, k, c)
    return jnp.transpose(jnp.max(nb, axis=2), (0, 2, 1))



def _ct_kernel(x_ref, wm_ref, ctm_ref, cts_ref, ctss_ref):
    xf = x_ref[0]
    c = lax.dot_general(xf, wm_ref[...], (((1,), (1,)), ((), ())),
                        preferred_element_type=jnp.float32)
    ctm_ref[...] = jnp.max(c, axis=0).reshape(1, 1, -1)
    cts_ref[...] = jnp.sum(c, axis=0).reshape(1, 1, -1)
    ctss_ref[...] = jnp.sum(c * c, axis=0).reshape(1, 1, -1)


def _ct_branch(x_bcn, wm):
    x_nc = jnp.transpose(x_bcn, (0, 2, 1))
    b, n, c = x_nc.shape
    om = wm.shape[0]
    ctm, cts, ctss = pl.pallas_call(
        _ct_kernel,
        grid=(b,),
        in_specs=[
            pl.BlockSpec((1, n, c), lambda i: (i, 0, 0)),
            pl.BlockSpec((om, c), lambda i: (0, 0)),
        ],
        out_specs=[
            pl.BlockSpec((1, 1, om), lambda i: (i, 0, 0)),
            pl.BlockSpec((1, 1, om), lambda i: (i, 0, 0)),
            pl.BlockSpec((1, 1, om), lambda i: (i, 0, 0)),
        ],
        out_shape=[
            jax.ShapeDtypeStruct((b, 1, om), jnp.float32),
            jax.ShapeDtypeStruct((b, 1, om), jnp.float32),
            jax.ShapeDtypeStruct((b, 1, om), jnp.float32),
        ],
    )(x_nc, wm)
    return ctm[:, 0, :], cts[:, 0, :], ctss[:, 0, :]



def _head_kernel(c1m_ref, c1s_ref, c1ss_ref,
                 c2m_ref, c2s_ref, c2ss_ref,
                 c3m_ref, c3s_ref, c3ss_ref, g4_ref,
                 l1_ref, l2_ref, l2b_ref, l3_ref, l3b_ref, out_ref,
                 *, cnt1, cnt2, cnt3):

    def gpart(cm, cs, css, cnt):
        m = jnp.sum(cs, axis=0, keepdims=True) / cnt
        v = jnp.sum(css, axis=0, keepdims=True) / cnt - m * m
        return _lrelu((cm - m) / jnp.sqrt(v + _EPS))

    g1 = gpart(c1m_ref[...], c1s_ref[...], c1ss_ref[...], cnt1)
    g2 = gpart(c2m_ref[...], c2s_ref[...], c2ss_ref[...], cnt2)
    g3 = gpart(c3m_ref[...], c3s_ref[...], c3ss_ref[...], cnt3)
    g = jnp.concatenate([g1, g2, g3, g4_ref[...]], axis=1)

    def bn0d_lrelu(y):
        m = jnp.mean(y, axis=0, keepdims=True)
        v = jnp.mean((y - m) * (y - m), axis=0, keepdims=True)
        return _lrelu((y - m) / jnp.sqrt(v + _EPS))

    y = bn0d_lrelu(g @ l1_ref[...])
    y = bn0d_lrelu(y @ l2_ref[...] + l2b_ref[...])
    out_ref[...] = y @ l3_ref[...] + l3b_ref[...]


def _head(ct1, ct2, ct3, g4, l1, l2, l2b, l3, l3b, *, cnt1, cnt2, cnt3):
    b = g4.shape[0]
    kern = functools.partial(_head_kernel, cnt1=cnt1, cnt2=cnt2, cnt3=cnt3)
    return pl.pallas_call(
        kern,
        out_shape=jax.ShapeDtypeStruct((b, l3.shape[1]), jnp.float32),
    )(*ct1, *ct2, *ct3, g4, l1, l2, l2b.reshape(1, -1), l3, l3b.reshape(1, -1))


def kernel(x, W1, W2, W2m, W2p, W3, W4, W4m, W4p, W5, W6, W6m, W6p, W7, W8,
           Ws1, Ws2, Ws3, L1, L2, L2b, L3, L3b):
    k = _K
    b = x.shape[0]
    xyz = x
    h = _lrelu(_bn2d(_conv2(_graph_feature(x, k), W1)))
    x1 = jnp.max(h, axis=-1)
    h = _lrelu(_bn2d(_conv2(_graph_feature(x1, k), W2)))
    x2 = jnp.max(h, axis=-1)
    ct1 = _ct_branch(x2, W2m)
    nf, ret1, ns1 = _sel_pool(xyz, x2, 256, Ws1)
    agg = _aggregate(xyz, ns1, x2, k)
    x_p1 = _lrelu(_bn1d(_conv1(jnp.concatenate([nf, agg], axis=1), W2p)))
    h = _lrelu(_bn2d(_conv2(_graph_feature(x_p1, k // 2), W3)))
    x3 = jnp.max(h, axis=-1)
    h = _lrelu(_bn2d(_conv2(_graph_feature(x3, k // 2), W4)))
    x4 = _lrelu(jnp.max(h, axis=-1) + x_p1)
    ct2 = _ct_branch(x4, W4m)
    nf, ret2, ns2 = _sel_pool(ns1, x4, 64, Ws2)
    agg = _aggregate(ns1, ns2, x4, k // 2)
    x_p2 = _lrelu(_bn1d(_conv1(jnp.concatenate([nf, agg], axis=1), W4p)))
    h = _lrelu(_bn2d(_conv2(_graph_feature(x_p2, k // 4), W5)))
    x5 = jnp.max(h, axis=-1)
    h = _lrelu(_bn2d(_conv2(_graph_feature(x5, k // 4), W6)))
    x6 = _lrelu(jnp.max(h, axis=-1) + x_p2)
    ct3 = _ct_branch(x6, W6m)
    nf, ret3, ns3 = _sel_pool(ns2, x6, 16, Ws3)
    agg = _aggregate(ns2, ns3, x6, k)
    x_p3 = _lrelu(_bn1d(_conv1(jnp.concatenate([nf, agg], axis=1), W6p)))
    h = _lrelu(_bn2d(_conv2(_graph_feature(x_p3, k // 8), W7)))
    x7 = jnp.max(h, axis=-1)
    h = _lrelu(_bn2d(_conv2(_graph_feature(x7, k // 8), W8)))
    x_t4 = _lrelu(jnp.max(h, axis=-1) + x_p3)
    g4 = jnp.max(x_t4, axis=-1)
    y = _head(ct1, ct2, ct3, g4, L1, L2, L2b, L3, L3b,
              cnt1=b * 1024, cnt2=b * 256, cnt3=b * 64)
    return (y, ret1, ret2, ret3, ns1, ns2, ns3, ns1, ns2, ns3)

# --- scband reference (transcript-rebuilt; emitter-appended) ---
"""Pipeline reference for scband-dgcnn-cls-19207093748090 (READ-ONLY COPY).

The authoritative reference and input builder live on the scoring server;
editing this copy changes nothing except your own understanding.
"""

import jax, jax.numpy as jnp
import numpy as np

K = 32

def knn_idx(x, k):
    inner = -2.0 * jnp.einsum('bcn,bcm->bnm', x, x)
    xx = jnp.sum(x * x, axis=1, keepdims=True)
    pair = -jnp.transpose(xx, (0, 2, 1)) - inner - xx
    return jax.lax.top_k(pair, k)[1]

def get_graph_feature(x, k):
    B, C, N = x.shape
    idx = knn_idx(x, k)
    xt = jnp.transpose(x, (0, 2, 1))
    nb = jnp.take_along_axis(xt, idx.reshape(B, N * k, 1), axis=1).reshape(B, N, k, C)
    xi = jnp.broadcast_to(xt[:, :, None, :], (B, N, k, C))
    f = jnp.concatenate([nb - xi, xi], axis=-1)
    return jnp.transpose(f, (0, 3, 1, 2))

def bn2d(x, eps=1e-5):
    m = jnp.mean(x, axis=(0, 2, 3), keepdims=True)
    v = jnp.var(x, axis=(0, 2, 3), keepdims=True)
    return (x - m) / jnp.sqrt(v + eps)

def bn1d(x, eps=1e-5):
    m = jnp.mean(x, axis=(0, 2), keepdims=True)
    v = jnp.var(x, axis=(0, 2), keepdims=True)
    return (x - m) / jnp.sqrt(v + eps)

def bn0d(x, eps=1e-5):
    m = jnp.mean(x, axis=0, keepdims=True)
    v = jnp.var(x, axis=0, keepdims=True)
    return (x - m) / jnp.sqrt(v + eps)

def lrelu(x):
    return jax.nn.leaky_relu(x, 0.2)

def conv2(x, W):
    return jnp.einsum('bcnk,oc->bonk', x, W)

def conv1(x, W):
    return jnp.einsum('bcn,oc->bon', x, W)

def index_select(xyz, feat, n_out, Ws):
    scores = jnp.einsum('bcn,c->bn', feat, Ws)
    values, idx = jax.lax.top_k(scores, n_out)
    gate = jax.nn.sigmoid(values)
    nf = jnp.take_along_axis(feat, idx[:, None, :], axis=2) * gate[:, None, :]
    ns = jnp.take_along_axis(xyz, idx[:, None, :], axis=2)
    return nf, values, idx, scores, ns, ns

def aggregate(xyz, nodes, feat, k):
    inner = -2.0 * jnp.einsum('bcm,bcn->bmn', nodes, xyz)
    d = -jnp.sum(nodes * nodes, axis=1)[:, :, None] - inner - jnp.sum(xyz * xyz, axis=1)[:, None, :]
    idx = jax.lax.top_k(d, k)[1]
    B, M, _ = idx.shape
    ft = jnp.transpose(feat, (0, 2, 1))
    C = ft.shape[-1]
    nb = jnp.take_along_axis(ft, idx.reshape(B, M * k, 1), axis=1).reshape(B, M, k, C)
    return jnp.transpose(jnp.max(nb, axis=2), (0, 2, 1))

def setup_inputs(seed: int = 0) -> dict:
    key = jax.random.key(seed)
    ks = jax.random.split(key, 32)
    s = 0.05
    inp = {}
    inp['x'] = jax.random.normal(ks[0], (16, 3, 1024), dtype=jnp.float32)
    inp['W1'] = jax.random.normal(ks[1], (64, 6)) * s
    inp['W2'] = jax.random.normal(ks[2], (64, 128)) * s
    inp['W2m'] = jax.random.normal(ks[3], (512, 64)) * s
    inp['W2p'] = jax.random.normal(ks[4], (128, 128)) * s
    inp['W3'] = jax.random.normal(ks[5], (128, 256)) * s
    inp['W4'] = jax.random.normal(ks[6], (128, 256)) * s
    inp['W4m'] = jax.random.normal(ks[7], (512, 128)) * s
    inp['W4p'] = jax.random.normal(ks[8], (256, 256)) * s
    inp['W5'] = jax.random.normal(ks[9], (256, 512)) * s
    inp['W6'] = jax.random.normal(ks[10], (256, 512)) * s
    inp['W6m'] = jax.random.normal(ks[11], (512, 256)) * s
    inp['W6p'] = jax.random.normal(ks[12], (512, 512)) * s
    inp['W7'] = jax.random.normal(ks[13], (512, 1024)) * s
    inp['W8'] = jax.random.normal(ks[14], (512, 1024)) * s
    inp['Ws1'] = jax.random.normal(ks[15], (64,)) * s
    inp['Ws2'] = jax.random.normal(ks[16], (128,)) * s
    inp['Ws3'] = jax.random.normal(ks[17], (256,)) * s
    inp['L1'] = jax.random.normal(ks[18], (2048, 512)) * s
    inp['L2'] = jax.random.normal(ks[19], (512, 256)) * s
    inp['L2b'] = jnp.zeros((256,), dtype=jnp.float32)
    inp['L3'] = jax.random.normal(ks[20], (256, 40)) * s
    inp['L3b'] = jnp.zeros((40,), dtype=jnp.float32)
    return inp

def reference(x, W1, W2, W2m, W2p, W3, W4, W4m, W4p, W5, W6, W6m, W6p, W7, W8, Ws1, Ws2, Ws3, L1, L2, L2b, L3, L3b):
    k = K
    xyz = x
    h = lrelu(bn2d(conv2(get_graph_feature(x, k), W1)))
    x1 = jnp.max(h, axis=-1)
    h = lrelu(bn2d(conv2(get_graph_feature(x1, k), W2)))
    x2 = jnp.max(h, axis=-1)
    x_t1 = lrelu(bn1d(conv1(x2, W2m)))
    nf, v1, idx1, ret1, ns1, n1 = index_select(xyz, x2, 256, Ws1)
    agg = aggregate(xyz, ns1, x2, k)
    x_p1 = lrelu(bn1d(conv1(jnp.concatenate([nf, agg], axis=1), W2p)))
    h = lrelu(bn2d(conv2(get_graph_feature(x_p1, k // 2), W3)))
    x3 = jnp.max(h, axis=-1)
    h = lrelu(bn2d(conv2(get_graph_feature(x3, k // 2), W4)))
    x4 = lrelu(jnp.max(h, axis=-1) + x_p1)
    x_t2 = lrelu(bn1d(conv1(x4, W4m)))
    nf, v2, idx2, ret2, ns2, n2 = index_select(ns1, x4, 64, Ws2)
    agg = aggregate(ns1, ns2, x4, k // 2)
    x_p2 = lrelu(bn1d(conv1(jnp.concatenate([nf, agg], axis=1), W4p)))
    h = lrelu(bn2d(conv2(get_graph_feature(x_p2, k // 4), W5)))
    x5 = jnp.max(h, axis=-1)
    h = lrelu(bn2d(conv2(get_graph_feature(x5, k // 4), W6)))
    x6 = lrelu(jnp.max(h, axis=-1) + x_p2)
    x_t3 = lrelu(bn1d(conv1(x6, W6m)))
    nf, v3, idx3, ret3, ns3, n3 = index_select(ns2, x6, 16, Ws3)
    agg = aggregate(ns2, ns3, x6, k)
    x_p3 = lrelu(bn1d(conv1(jnp.concatenate([nf, agg], axis=1), W6p)))
    h = lrelu(bn2d(conv2(get_graph_feature(x_p3, k // 8), W7)))
    x7 = jnp.max(h, axis=-1)
    h = lrelu(bn2d(conv2(get_graph_feature(x7, k // 8), W8)))
    x_t4 = lrelu(jnp.max(h, axis=-1) + x_p3)
    g = jnp.concatenate([jnp.max(x_t1, -1), jnp.max(x_t2, -1), jnp.max(x_t3, -1), jnp.max(x_t4, -1)], axis=1)
    y = lrelu(bn0d(g @ L1))
    y = lrelu(bn0d(y @ L2 + L2b))
    y = y @ L3 + L3b
    return (y, ret1, ret2, ret3, n1, n2, n3, ns1, ns2, ns3)

if __name__ == "__main__":
    import jax
    _d = setup_inputs()
    print(jax.jit(kernel)(*tuple(_d.values())))

</pallas_src>

<mosaic_0001>
module attributes {stable_mosaic.version = 14 : i64} {
  func.func @_ct_kernel(%arg0: i32, %arg1: memref<1x1024x64xf32, #tpu.memory_space<vmem>>, %arg2: memref<512x64xf32, #tpu.memory_space<vmem>>, %arg3: memref<1x1x512xf32, #tpu.memory_space<vmem>>, %arg4: memref<1x1x512xf32, #tpu.memory_space<vmem>>, %arg5: memref<1x1x512xf32, #tpu.memory_space<vmem>>) attributes {dimension_semantics = [#tpu.dimension_semantics<arbitrary>], iteration_bounds = array<i64: 16>, scalar_prefetch = 0 : i64, scratch_operands = 0 : i64, tpu.core_type = #tpu.core_type<tc>, window_params = [{transform_indices = @transform_0, window_bounds = array<i64: 1, 1024, 64>}, {pipeline_mode = #tpu.pipeline_mode<synchronous>, transform_indices = @transform_1, window_bounds = array<i64: 512, 64>}, {transform_indices = @transform_2, window_bounds = array<i64: 1, 1, 512>}, {transform_indices = @transform_3, window_bounds = array<i64: 1, 1, 512>}, {transform_indices = @transform_4, window_bounds = array<i64: 1, 1, 512>}]} {
    %get3A = arith.constant 0 : index
    %get3A_0 = arith.constant 0 : index
    %get3A_1 = arith.constant 0 : index
    %get3A_2 = vector.load %arg1[%get3A, %get3A_0, %get3A_1] : memref<1x1024x64xf32, #tpu.memory_space<vmem>>, vector<1x1024x64xf32>
    %get3A_3 = vector.shape_cast %get3A_2 : vector<1x1024x64xf32> to vector<1024x64xf32>
    %get3A_4 = arith.constant 0 : index
    %get3A_5 = arith.constant 0 : index
    %get3A_6 = vector.load %arg2[%get3A_4, %get3A_5] : memref<512x64xf32, #tpu.memory_space<vmem>>, vector<512x64xf32>
    %dot_general3A = arith.constant dense<0.000000e+00> : vector<1024x512xf32>
    %dot_general3A_7 = tpu.matmul %get3A_3, %get3A_6, %dot_general3A {dimension_numbers = #tpu.dot_dimension_numbers<[1], [1], [0], [0], [0, 0, 1, 0], [], []>, transpose_lhs_hint = false} : vector<1024x64xf32>, vector<512x64xf32>, vector<1024x512xf32> -> vector<1024x512xf32>
    %reduce_max3A = arith.constant dense<0xFF800000> : vector<512xf32>
    %reduce_max3A_8 = vector.multi_reduction <maximumf>, %dot_general3A_7, %reduce_max3A [0] : vector<1024x512xf32> to vector<512xf32>
    %reshape3A = vector.shape_cast %reduce_max3A_8 : vector<512xf32> to vector<1x1x512xf32>
    %swap3A = arith.constant 0 : index
    %swap3A_9 = arith.constant 0 : index
    %swap3A_10 = arith.constant 0 : index
    %swap3A_11 = vector.load %arg3[%swap3A, %swap3A_9, %swap3A_10] : memref<1x1x512xf32, #tpu.memory_space<vmem>>, vector<1x1x512xf32>
    tpu.vector_store %arg3[%swap3A, %swap3A_9, %swap3A_10], %reshape3A {strides = array<i32>} : memref<1x1x512xf32, #tpu.memory_space<vmem>>, vector<1x1x512xf32>,
    %reduce_sum3A = arith.constant dense<0.000000e+00> : vector<512xf32>
    %reduce_sum3A_12 = vector.multi_reduction <add>, %dot_general3A_7, %reduce_sum3A [0] : vector<1024x512xf32> to vector<512xf32>
    %reshape3A_13 = vector.shape_cast %reduce_sum3A_12 : vector<512xf32> to vector<1x1x512xf32>
    %swap3A_14 = arith.constant 0 : index
    %swap3A_15 = arith.constant 0 : index
    %swap3A_16 = arith.constant 0 : index
    %swap3A_17 = vector.load %arg4[%swap3A_14, %swap3A_15, %swap3A_16] : memref<1x1x512xf32, #tpu.memory_space<vmem>>, vector<1x1x512xf32>
    tpu.vector_store %arg4[%swap3A_14, %swap3A_15, %swap3A_16], %reshape3A_13 {strides = array<i32>} : memref<1x1x512xf32, #tpu.memory_space<vmem>>, vector<1x1x512xf32>,
    %mul3A = arith.mulf %dot_general3A_7, %dot_general3A_7 : vector<1024x512xf32>
    %reduce_sum3A_18 = arith.constant dense<0.000000e+00> : vector<512xf32>
    %reduce_sum3A_19 = vector.multi_reduction <add>, %mul3A, %reduce_sum3A_18 [0] : vector<1024x512xf32> to vector<512xf32>
    %reshape3A_20 = vector.shape_cast %reduce_sum3A_19 : vector<512xf32> to vector<1x1x512xf32>
    %swap3A_21 = arith.constant 0 : index
    %swap3A_22 = arith.constant 0 : index
    %swap3A_23 = arith.constant 0 : index
    %swap3A_24 = vector.load %arg5[%swap3A_21, %swap3A_22, %swap3A_23] : memref<1x1x512xf32, #tpu.memory_space<vmem>>, vector<1x1x512xf32>
    tpu.vector_store %arg5[%swap3A_21, %swap3A_22, %swap3A_23], %reshape3A_20 {strides = array<i32>} : memref<1x1x512xf32, #tpu.memory_space<vmem>>, vector<1x1x512xf32>,
    return
  }
  func.func @transform_0(%arg0: i32) -> (i32, i32, i32) {
    %c0_i32 = arith.constant 0 : i32
    %c0_i32_0 = arith.constant 0 : i32
    %c0_i32_1 = arith.constant 0 : i32
    return %arg0, %c0_i32, %c0_i32_0 : i32, i32, i32
  }
  func.func @transform_1(%arg0: i32) -> (i32, i32) {
    %c0_i32 = arith.constant 0 : i32
    %c0_i32_0 = arith.constant 0 : i32
    %c0_i32_1 = arith.constant 0 : i32
    return %c0_i32, %c0_i32_0 : i32, i32
  }
  func.func @transform_2(%arg0: i32) -> (i32, i32, i32) {
    %c0_i32 = arith.constant 0 : i32
    %c0_i32_0 = arith.constant 0 : i32
    %c0_i32_1 = arith.constant 0 : i32
    return %arg0, %c0_i32, %c0_i32_0 : i32, i32, i32
  }
  func.func @transform_3(%arg0: i32) -> (i32, i32, i32) {
    %c0_i32 = arith.constant 0 : i32
    %c0_i32_0 = arith.constant 0 : i32
    %c0_i32_1 = arith.constant 0 : i32
    return %arg0, %c0_i32, %c0_i32_0 : i32, i32, i32
  }
  func.func @transform_4(%arg0: i32) -> (i32, i32, i32) {
    %c0_i32 = arith.constant 0 : i32
    %c0_i32_0 = arith.constant 0 : i32
    %c0_i32_1 = arith.constant 0 : i32
    return %arg0, %c0_i32, %c0_i32_0 : i32, i32, i32
  }
}

module attributes {stable_mosaic.version = 14 : i64} {
  func.func @_ct_kernel(%arg0: i32, %arg1: memref<1x64x256xf32, #tpu.memory_space<vmem>>, %arg2: memref<512x256xf32, #tpu.memory_space<vmem>>, %arg3: memref<1x1x512xf32, #tpu.memory_space<vmem>>, %arg4: memref<1x1x512xf32, #tpu.memory_space<vmem>>, %arg5: memref<1x1x512xf32, #tpu.memory_space<vmem>>) attributes {dimension_semantics = [#tpu.dimension_semantics<arbitrary>], iteration_bounds = array<i64: 16>, scalar_prefetch = 0 : i64, scratch_operands = 0 : i64, tpu.core_type = #tpu.core_type<tc>, window_params = [{transform_indices = @transform_0, window_bounds = array<i64: 1, 64, 256>}, {pipeline_mode = #tpu.pipeline_mode<synchronous>, transform_indices = @transform_1, window_bounds = array<i64: 512, 256>}, {transform_indices = @transform_2, window_bounds = array<i64: 1, 1, 512>}, {transform_indices = @transform_3, window_bounds = array<i64: 1, 1, 512>}, {transform_indices = @transform_4, window_bounds = array<i64: 1, 1, 512>}]} {
    %get3A = arith.constant 0 : index
    %get3A_0 = arith.constant 0 : index
    %get3A_1 = arith.constant 0 : index
    %get3A_2 = vector.load %arg1[%get3A, %get3A_0, %get3A_1] : memref<1x64x256xf32, #tpu.memory_space<vmem>>, vector<1x64x256xf32>
    %get3A_3 = vector.shape_cast %get3A_2 : vector<1x64x256xf32> to vector<64x256xf32>
    %get3A_4 = arith.constant 0 : index
    %get3A_5 = arith.constant 0 : index
    %get3A_6 = vector.load %arg2[%get3A_4, %get3A_5] : memref<512x256xf32, #tpu.memory_space<vmem>>, vector<512x256xf32>
    %dot_general3A = arith.constant dense<0.000000e+00> : vector<64x512xf32>
    %dot_general3A_7 = tpu.matmul %get3A_3, %get3A_6, %dot_general3A {dimension_numbers = #tpu.dot_dimension_numbers<[1], [1], [0], [0], [0, 0, 1, 0], [], []>, transpose_lhs_hint = false} : vector<64x256xf32>, vector<512x256xf32>, vector<64x512xf32> -> vector<64x512xf32>
    %reduce_max3A = arith.constant dense<0xFF800000> : vector<512xf32>
    %reduce_max3A_8 = vector.multi_reduction <maximumf>, %dot_general3A_7, %reduce_max3A [0] : vector<64x512xf32> to vector<512xf32>
    %reshape3A = vector.shape_cast %reduce_max3A_8 : vector<512xf32> to vector<1x1x512xf32>
    %swap3A = arith.constant 0 : index
    %swap3A_9 = arith.constant 0 : index
    %swap3A_10 = arith.constant 0 : index
    %swap3A_11 = vector.load %arg3[%swap3A, %swap3A_9, %swap3A_10] : memref<1x1x512xf32, #tpu.memory_space<vmem>>, vector<1x1x512xf32>
    tpu.vector_store %arg3[%swap3A, %swap3A_9, %swap3A_10], %reshape3A {strides = array<i32>} : memref<1x1x512xf32, #tpu.memory_space<vmem>>, vector<1x1x512xf32>,
    %reduce_sum3A = arith.constant dense<0.000000e+00> : vector<512xf32>
    %reduce_sum3A_12 = vector.multi_reduction <add>, %dot_general3A_7, %reduce_sum3A [0] : vector<64x512xf32> to vector<512xf32>
    %reshape3A_13 = vector.shape_cast %reduce_sum3A_12 : vector<512xf32> to vector<1x1x512xf32>
    %swap3A_14 = arith.constant 0 : index
    %swap3A_15 = arith.constant 0 : index
    %swap3A_16 = arith.constant 0 : index
    %swap3A_17 = vector.load %arg4[%swap3A_14, %swap3A_15, %swap3A_16] : memref<1x1x512xf32, #tpu.memory_space<vmem>>, vector<1x1x512xf32>
    tpu.vector_store %arg4[%swap3A_14, %swap3A_15, %swap3A_16], %reshape3A_13 {strides = array<i32>} : memref<1x1x512xf32, #tpu.memory_space<vmem>>, vector<1x1x512xf32>,
    %mul3A = arith.mulf %dot_general3A_7, %dot_general3A_7 : vector<64x512xf32>
    %reduce_sum3A_18 = arith.constant dense<0.000000e+00> : vector<512xf32>
    %reduce_sum3A_19 = vector.multi_reduction <add>, %mul3A, %reduce_sum3A_18 [0] : vector<64x512xf32> to vector<512xf32>
    %reshape3A_20 = vector.shape_cast %reduce_sum3A_19 : vector<512xf32> to vector<1x1x512xf32>
    %swap3A_21 = arith.constant 0 : index
    %swap3A_22 = arith.constant 0 : index
    %swap3A_23 = arith.constant 0 : index
    %swap3A_24 = vector.load %arg5[%swap3A_21, %swap3A_22, %swap3A_23] : memref<1x1x512xf32, #tpu.memory_space<vmem>>, vector<1x1x512xf32>
    tpu.vector_store %arg5[%swap3A_21, %swap3A_22, %swap3A_23], %reshape3A_20 {strides = array<i32>} : memref<1x1x512xf32, #tpu.memory_space<vmem>>, vector<1x1x512xf32>,
    return
  }
  func.func @transform_0(%arg0: i32) -> (i32, i32, i32) {
    %c0_i32 = arith.constant 0 : i32
    %c0_i32_0 = arith.constant 0 : i32
    %c0_i32_1 = arith.constant 0 : i32
    return %arg0, %c0_i32, %c0_i32_0 : i32, i32, i32
  }
  func.func @transform_1(%arg0: i32) -> (i32, i32) {
    %c0_i32 = arith.constant 0 : i32
    %c0_i32_0 = arith.constant 0 : i32
    %c0_i32_1 = arith.constant 0 : i32
    return %c0_i32, %c0_i32_0 : i32, i32
  }
  func.func @transform_2(%arg0: i32) -> (i32, i32, i32) {
    %c0_i32 = arith.constant 0 : i32
    %c0_i32_0 = arith.constant 0 : i32
    %c0_i32_1 = arith.constant 0 : i32
    return %arg0, %c0_i32, %c0_i32_0 : i32, i32, i32
  }
  func.func @transform_3(%arg0: i32) -> (i32, i32, i32) {
    %c0_i32 = arith.constant 0 : i32
    %c0_i32_0 = arith.constant 0 : i32
    %c0_i32_1 = arith.constant 0 : i32
    return %arg0, %c0_i32, %c0_i32_0 : i32, i32, i32
  }
  func.func @transform_4(%arg0: i32) -> (i32, i32, i32) {
    %c0_i32 = arith.constant 0 : i32
    %c0_i32_0 = arith.constant 0 : i32
    %c0_i32_1 = arith.constant 0 : i32
    return %arg0, %c0_i32, %c0_i32_0 : i32, i32, i32
  }
}

module attributes {stable_mosaic.version = 14 : i64} {
  func.func @_ct_kernel(%arg0: i32, %arg1: memref<1x256x128xf32, #tpu.memory_space<vmem>>, %arg2: memref<512x128xf32, #tpu.memory_space<vmem>>, %arg3: memref<1x1x512xf32, #tpu.memory_space<vmem>>, %arg4: memref<1x1x512xf32, #tpu.memory_space<vmem>>, %arg5: memref<1x1x512xf32, #tpu.memory_space<vmem>>) attributes {dimension_semantics = [#tpu.dimension_semantics<arbitrary>], iteration_bounds = array<i64: 16>, scalar_prefetch = 0 : i64, scratch_operands = 0 : i64, tpu.core_type = #tpu.core_type<tc>, window_params = [{transform_indices = @transform_0, window_bounds = array<i64: 1, 256, 128>}, {pipeline_mode = #tpu.pipeline_mode<synchronous>, transform_indices = @transform_1, window_bounds = array<i64: 512, 128>}, {transform_indices = @transform_2, window_bounds = array<i64: 1, 1, 512>}, {transform_indices = @transform_3, window_bounds = array<i64: 1, 1, 512>}, {transform_indices = @transform_4, window_bounds = array<i64: 1, 1, 512>}]} {
    %get3A = arith.constant 0 : index
    %get3A_0 = arith.constant 0 : index
    %get3A_1 = arith.constant 0 : index
    %get3A_2 = vector.load %arg1[%get3A, %get3A_0, %get3A_1] : memref<1x256x128xf32, #tpu.memory_space<vmem>>, vector<1x256x128xf32>
    %get3A_3 = vector.shape_cast %get3A_2 : vector<1x256x128xf32> to vector<256x128xf32>
    %get3A_4 = arith.constant 0 : index
    %get3A_5 = arith.constant 0 : index
    %get3A_6 = vector.load %arg2[%get3A_4, %get3A_5] : memref<512x128xf32, #tpu.memory_space<vmem>>, vector<512x128xf32>
    %dot_general3A = arith.constant dense<0.000000e+00> : vector<256x512xf32>
    %dot_general3A_7 = tpu.matmul %get3A_3, %get3A_6, %dot_general3A {dimension_numbers = #tpu.dot_dimension_numbers<[1], [1], [0], [0], [0, 0, 1, 0], [], []>, transpose_lhs_hint = false} : vector<256x128xf32>, vector<512x128xf32>, vector<256x512xf32> -> vector<256x512xf32>
    %reduce_max3A = arith.constant dense<0xFF800000> : vector<512xf32>
    %reduce_max3A_8 = vector.multi_reduction <maximumf>, %dot_general3A_7, %reduce_max3A [0] : vector<256x512xf32> to vector<512xf32>
    %reshape3A = vector.shape_cast %reduce_max3A_8 : vector<512xf32> to vector<1x1x512xf32>
    %swap3A = arith.constant 0 : index
    %swap3A_9 = arith.constant 0 : index
    %swap3A_10 = arith.constant 0 : index
    %swap3A_11 = vector.load %arg3[%swap3A, %swap3A_9, %swap3A_10] : memref<1x1x512xf32, #tpu.memory_space<vmem>>, vector<1x1x512xf32>
    tpu.vector_store %arg3[%swap3A, %swap3A_9, %swap3A_10], %reshape3A {strides = array<i32>} : memref<1x1x512xf32, #tpu.memory_space<vmem>>, vector<1x1x512xf32>,
    %reduce_sum3A = arith.constant dense<0.000000e+00> : vector<512xf32>
    %reduce_sum3A_12 = vector.multi_reduction <add>, %dot_general3A_7, %reduce_sum3A [0] : vector<256x512xf32> to vector<512xf32>
    %reshape3A_13 = vector.shape_cast %reduce_sum3A_12 : vector<512xf32> to vector<1x1x512xf32>
    %swap3A_14 = arith.constant 0 : index
    %swap3A_15 = arith.constant 0 : index
    %swap3A_16 = arith.constant 0 : index
    %swap3A_17 = vector.load %arg4[%swap3A_14, %swap3A_15, %swap3A_16] : memref<1x1x512xf32, #tpu.memory_space<vmem>>, vector<1x1x512xf32>
    tpu.vector_store %arg4[%swap3A_14, %swap3A_15, %swap3A_16], %reshape3A_13 {strides = array<i32>} : memref<1x1x512xf32, #tpu.memory_space<vmem>>, vector<1x1x512xf32>,
    %mul3A = arith.mulf %dot_general3A_7, %dot_general3A_7 : vector<256x512xf32>
    %reduce_sum3A_18 = arith.constant dense<0.000000e+00> : vector<512xf32>
    %reduce_sum3A_19 = vector.multi_reduction <add>, %mul3A, %reduce_sum3A_18 [0] : vector<256x512xf32> to vector<512xf32>
    %reshape3A_20 = vector.shape_cast %reduce_sum3A_19 : vector<512xf32> to vector<1x1x512xf32>
    %swap3A_21 = arith.constant 0 : index
    %swap3A_22 = arith.constant 0 : index
    %swap3A_23 = arith.constant 0 : index
    %swap3A_24 = vector.load %arg5[%swap3A_21, %swap3A_22, %swap3A_23] : memref<1x1x512xf32, #tpu.memory_space<vmem>>, vector<1x1x512xf32>
    tpu.vector_store %arg5[%swap3A_21, %swap3A_22, %swap3A_23], %reshape3A_20 {strides = array<i32>} : memref<1x1x512xf32, #tpu.memory_space<vmem>>, vector<1x1x512xf32>,
    return
  }
  func.func @transform_0(%arg0: i32) -> (i32, i32, i32) {
    %c0_i32 = arith.constant 0 : i32
    %c0_i32_0 = arith.constant 0 : i32
    %c0_i32_1 = arith.constant 0 : i32
    return %arg0, %c0_i32, %c0_i32_0 : i32, i32, i32
  }
  func.func @transform_1(%arg0: i32) -> (i32, i32) {
    %c0_i32 = arith.constant 0 : i32
    %c0_i32_0 = arith.constant 0 : i32
    %c0_i32_1 = arith.constant 0 : i32
    return %c0_i32, %c0_i32_0 : i32, i32
  }
  func.func @transform_2(%arg0: i32) -> (i32, i32, i32) {
    %c0_i32 = arith.constant 0 : i32
    %c0_i32_0 = arith.constant 0 : i32
    %c0_i32_1 = arith.constant 0 : i32
    return %arg0, %c0_i32, %c0_i32_0 : i32, i32, i32
  }
  func.func @transform_3(%arg0: i32) -> (i32, i32, i32) {
    %c0_i32 = arith.constant 0 : i32
    %c0_i32_0 = arith.constant 0 : i32
    %c0_i32_1 = arith.constant 0 : i32
    return %arg0, %c0_i32, %c0_i32_0 : i32, i32, i32
  }
  func.func @transform_4(%arg0: i32) -> (i32, i32, i32) {
    %c0_i32 = arith.constant 0 : i32
    %c0_i32_0 = arith.constant 0 : i32
    %c0_i32_1 = arith.constant 0 : i32
    return %arg0, %c0_i32, %c0_i32_0 : i32, i32, i32
  }
}

module attributes {stable_mosaic.version = 14 : i64} {
  func.func @_head_kernel(%arg0: memref<16x512xf32, #tpu.memory_space<vmem>>, %arg1: memref<16x512xf32, #tpu.memory_space<vmem>>, %arg2: memref<16x512xf32, #tpu.memory_space<vmem>>, %arg3: memref<16x512xf32, #tpu.memory_space<vmem>>, %arg4: memref<16x512xf32, #tpu.memory_space<vmem>>, %arg5: memref<16x512xf32, #tpu.memory_space<vmem>>, %arg6: memref<16x512xf32, #tpu.memory_space<vmem>>, %arg7: memref<16x512xf32, #tpu.memory_space<vmem>>, %arg8: memref<16x512xf32, #tpu.memory_space<vmem>>, %arg9: memref<16x512xf32, #tpu.memory_space<vmem>>, %arg10: memref<2048x512xf32, #tpu.memory_space<vmem>>, %arg11: memref<512x256xf32, #tpu.memory_space<vmem>>, %arg12: memref<1x256xf32, #tpu.memory_space<vmem>>, %arg13: memref<256x40xf32, #tpu.memory_space<vmem>>, %arg14: memref<1x40xf32, #tpu.memory_space<vmem>>, %arg15: memref<16x40xf32, #tpu.memory_space<vmem>>) attributes {dimension_semantics = [], scalar_prefetch = 0 : i64, scratch_operands = 0 : i64, tpu.core_type = #tpu.core_type<tc>} {
    %get3A = arith.constant 0 : index
    %get3A_0 = arith.constant 0 : index
    %get3A_1 = vector.load %arg0[%get3A, %get3A_0] : memref<16x512xf32, #tpu.memory_space<vmem>>, vector<16x512xf32>
    %get3A_2 = arith.constant 0 : index
    %get3A_3 = arith.constant 0 : index
    %get3A_4 = vector.load %arg1[%get3A_2, %get3A_3] : memref<16x512xf32, #tpu.memory_space<vmem>>, vector<16x512xf32>
    %get3A_5 = arith.constant 0 : index
    %get3A_6 = arith.constant 0 : index
    %get3A_7 = vector.load %arg2[%get3A_5, %get3A_6] : memref<16x512xf32, #tpu.memory_space<vmem>>, vector<16x512xf32>
    %reduce_sum3A = arith.constant dense<0.000000e+00> : vector<512xf32>
    %reduce_sum3A_8 = vector.multi_reduction <add>, %get3A_4, %reduce_sum3A [0] : vector<16x512xf32> to vector<512xf32>
    %broadcast_in_dim3A = vector.shape_cast %reduce_sum3A_8 : vector<512xf32> to vector<1x512xf32>
    %div3A = arith.constant 1.638400e+04 : f32
    %div3A_9 = vector.broadcast %div3A : f32 to vector<1x512xf32>
    %div3A_10 = arith.divf %broadcast_in_dim3A, %div3A_9 : vector<1x512xf32>
    %reduce_sum3A_11 = arith.constant dense<0.000000e+00> : vector<512xf32>
    %reduce_sum3A_12 = vector.multi_reduction <add>, %get3A_7, %reduce_sum3A_11 [0] : vector<16x512xf32> to vector<512xf32>
    %broadcast_in_dim3A_13 = vector.shape_cast %reduce_sum3A_12 : vector<512xf32> to vector<1x512xf32>
    %div3A_14 = arith.constant 1.638400e+04 : f32
    %div3A_15 = vector.broadcast %div3A_14 : f32 to vector<1x512xf32>
    %div3A_16 = arith.divf %broadcast_in_dim3A_13, %div3A_15 : vector<1x512xf32>
    %mul3A = arith.mulf %div3A_10, %div3A_10 : vector<1x512xf32>
    %sub3A = arith.subf %div3A_16, %mul3A : vector<1x512xf32>
    %sub3A_17 = vector.broadcast %div3A_10 : vector<1x512xf32> to vector<16x512xf32>
    %sub3A_18 = arith.subf %get3A_1, %sub3A_17 : vector<16x512xf32>
    %add3A = arith.constant 9.99999974E-6 : f32
    %add3A_19 = vector.broadcast %add3A : f32 to vector<1x512xf32>
    %add3A_20 = arith.addf %sub3A, %add3A_19 : vector<1x512xf32>
    %sqrt3A = math.sqrt %add3A_20 : vector<1x512xf32>
    %div3A_21 = vector.broadcast %sqrt3A : vector<1x512xf32> to vector<16x512xf32>
    %div3A_22 = arith.divf %sub3A_18, %div3A_21 : vector<16x512xf32>
    %mul3A_23 = arith.constant 2.000000e-01 : f32
    %mul3A_24 = vector.broadcast %mul3A_23 : f32 to vector<16x512xf32>
    %mul3A_25 = arith.mulf %mul3A_24, %div3A_22 : vector<16x512xf32>
    %max3A = arith.maximumf %div3A_22, %mul3A_25 : vector<16x512xf32>
    %get3A_26 = arith.constant 0 : index
    %get3A_27 = arith.constant 0 : index
    %get3A_28 = vector.load %arg3[%get3A_26, %get3A_27] : memref<16x512xf32, #tpu.memory_space<vmem>>, vector<16x512xf32>
    %get3A_29 = arith.constant 0 : index
    %get3A_30 = arith.constant 0 : index
    %get3A_31 = vector.load %arg4[%get3A_29, %get3A_30] : memref<16x512xf32, #tpu.memory_space<vmem>>, vector<16x512xf32>
    %get3A_32 = arith.constant 0 : index
    %get3A_33 = arith.constant 0 : index
    %get3A_34 = vector.load %arg5[%get3A_32, %get3A_33] : memref<16x512xf32, #tpu.memory_space<vmem>>, vector<16x512xf32>
    %reduce_sum3A_35 = arith.constant dense<0.000000e+00> : vector<512xf32>
    %reduce_sum3A_36 = vector.multi_reduction <add>, %get3A_31, %reduce_sum3A_35 [0] : vector<16x512xf32> to vector<512xf32>
    %broadcast_in_dim3A_37 = vector.shape_cast %reduce_sum3A_36 : vector<512xf32> to vector<1x512xf32>
    %div3A_38 = arith.constant 4.096000e+03 : f32
    %div3A_39 = vector.broadcast %div3A_38 : f32 to vector<1x512xf32>
    %div3A_40 = arith.divf %broadcast_in_dim3A_37, %div3A_39 : vector<1x512xf32>
    %reduce_sum3A_41 = arith.constant dense<0.000000e+00> : vector<512xf32>
    %reduce_sum3A_42 = vector.multi_reduction <add>, %get3A_34, %reduce_sum3A_41 [0] : vector<16x512xf32> to vector<512xf32>
    %broadcast_in_dim3A_43 = vector.shape_cast %reduce_sum3A_42 : vector<512xf32> to vector<1x512xf32>
    %div3A_44 = arith.constant 4.096000e+03 : f32
    %div3A_45 = vector.broadcast %div3A_44 : f32 to vector<1x512xf32>
    %div3A_46 = arith.divf %broadcast_in_dim3A_43, %div3A_45 : vector<1x512xf32>
    %mul3A_47 = arith.mulf %div3A_40, %div3A_40 : vector<1x512xf32>
    %sub3A_48 = arith.subf %div3A_46, %mul3A_47 : vector<1x512xf32>
    %sub3A_49 = vector.broadcast %div3A_40 : vector<1x512xf32> to vector<16x512xf32>
    %sub3A_50 = arith.subf %get3A_28, %sub3A_49 : vector<16x512xf32>
    %add3A_51 = arith.constant 9.99999974E-6 : f32
    %add3A_52 = vector.broadcast %add3A_51 : f32 to vector<1x512xf32>
    %add3A_53 = arith.addf %sub3A_48, %add3A_52 : vector<1x512xf32>
    %sqrt3A_54 = math.sqrt %add3A_53 : vector<1x512xf32>
    %div3A_55 = vector.broadcast %sqrt3A_54 : vector<1x512xf32> to vector<16x512xf32>
    %div3A_56 = arith.divf %sub3A_50, %div3A_55 : vector<16x512xf32>
    %mul3A_57 = arith.constant 2.000000e-01 : f32
    %mul3A_58 = vector.broadcast %mul3A_57 : f32 to vector<16x512xf32>
    %mul3A_59 = arith.mulf %mul3A_58, %div3A_56 : vector<16x512xf32>
    %max3A_60 = arith.maximumf %div3A_56, %mul3A_59 : vector<16x512xf32>
    %get3A_61 = arith.constant 0 : index
    %get3A_62 = arith.constant 0 : index
    %get3A_63 = vector.load %arg6[%get3A_61, %get3A_62] : memref<16x512xf32, #tpu.memory_space<vmem>>, vector<16x512xf32>
    %get3A_64 = arith.constant 0 : index
    %get3A_65 = arith.constant 0 : index
    %get3A_66 = vector.load %arg7[%get3A_64, %get3A_65] : memref<16x512xf32, #tpu.memory_space<vmem>>, vector<16x512xf32>
    %get3A_67 = arith.constant 0 : index
    %get3A_68 = arith.constant 0 : index
    %get3A_69 = vector.load %arg8[%get3A_67, %get3A_68] : memref<16x512xf32, #tpu.memory_space<vmem>>, vector<16x512xf32>
    %reduce_sum3A_70 = arith.constant dense<0.000000e+00> : vector<512xf32>
    %reduce_sum3A_71 = vector.multi_reduction <add>, %get3A_66, %reduce_sum3A_70 [0] : vector<16x512xf32> to vector<512xf32>
    %broadcast_in_dim3A_72 = vector.shape_cast %reduce_sum3A_71 : vector<512xf32> to vector<1x512xf32>
    %div3A_73 = arith.constant 1.024000e+03 : f32
    %div3A_74 = vector.broadcast %div3A_73 : f32 to vector<1x512xf32>
    %div3A_75 = arith.divf %broadcast_in_dim3A_72, %div3A_74 : vector<1x512xf32>
    %reduce_sum3A_76 = arith.constant dense<0.000000e+00> : vector<512xf32>
    %reduce_sum3A_77 = vector.multi_reduction <add>, %get3A_69, %reduce_sum3A_76 [0] : vector<16x512xf32> to vector<512xf32>
    %broadcast_in_dim3A_78 = vector.shape_cast %reduce_sum3A_77 : vector<512xf32> to vector<1x512xf32>
    %div3A_79 = arith.constant 1.024000e+03 : f32
    %div3A_80 = vector.broadcast %div3A_79 : f32 to vector<1x512xf32>
    %div3A_81 = arith.divf %broadcast_in_dim3A_78, %div3A_80 : vector<1x512xf32>
    %mul3A_82 = arith.mulf %div3A_75, %div3A_75 : vector<1x512xf32>
    %sub3A_83 = arith.subf %div3A_81, %mul3A_82 : vector<1x512xf32>
    %sub3A_84 = vector.broadcast %div3A_75 : vector<1x512xf32> to vector<16x512xf32>
    %sub3A_85 = arith.subf %get3A_63, %sub3A_84 : vector<16x512xf32>
    %add3A_86 = arith.constant 9.99999974E-6 : f32
    %add3A_87 = vector.broadcast %add3A_86 : f32 to vector<1x512xf32>
    %add3A_88 = arith.addf %sub3A_83, %add3A_87 : vector<1x512xf32>
    %sqrt3A_89 = math.sqrt %add3A_88 : vector<1x512xf32>
    %div3A_90 = vector.broadcast %sqrt3A_89 : vector<1x512xf32> to vector<16x512xf32>
    %div3A_91 = arith.divf %sub3A_85, %div3A_90 : vector<16x512xf32>
    %mul3A_92 = arith.constant 2.000000e-01 : f32
    %mul3A_93 = vector.broadcast %mul3A_92 : f32 to vector<16x512xf32>
    %mul3A_94 = arith.mulf %mul3A_93, %div3A_91 : vector<16x512xf32>
    %max3A_95 = arith.maximumf %div3A_91, %mul3A_94 : vector<16x512xf32>
    %get3A_96 = arith.constant 0 : index
    %get3A_97 = arith.constant 0 : index
    %get3A_98 = vector.load %arg9[%get3A_96, %get3A_97] : memref<16x512xf32, #tpu.memory_space<vmem>>, vector<16x512xf32>
    %concatenate3A = tpu.concatenate %max3A, %max3A_60, %max3A_95, %get3A_98 in 1 : vector<16x512xf32>, vector<16x512xf32>, vector<16x512xf32>, vector<16x512xf32> -> vector<16x2048xf32>
    %get3A_99 = arith.constant 0 : index
    %get3A_100 = arith.constant 0 : index
    %get3A_101 = vector.load %arg10[%get3A_99, %get3A_100] : memref<2048x512xf32, #tpu.memory_space<vmem>>, vector<2048x512xf32>
    %dot_general3A = arith.constant dense<0.000000e+00> : vector<16x512xf32>
    %dot_general3A_102 = tpu.matmul %concatenate3A, %get3A_101, %dot_general3A {dimension_numbers = #tpu.dot_dimension_numbers<[1], [0], [0], [1], [0, 0, 1, 1], [], []>, transpose_lhs_hint = false} : vector<16x2048xf32>, vector<2048x512xf32>, vector<16x512xf32> -> vector<16x512xf32>
    %reduce_sum3A_103 = arith.constant dense<0.000000e+00> : vector<512xf32>
    %reduce_sum3A_104 = vector.multi_reduction <add>, %dot_general3A_102, %reduce_sum3A_103 [0] : vector<16x512xf32> to vector<512xf32>
    %broadcast_in_dim3A_105 = vector.shape_cast %reduce_sum3A_104 : vector<512xf32> to vector<1x512xf32>
    %div3A_106 = arith.constant 1.600000e+01 : f32
    %div3A_107 = vector.broadcast %div3A_106 : f32 to vector<1x512xf32>
    %div3A_108 = arith.divf %broadcast_in_dim3A_105, %div3A_107 : vector<1x512xf32>
    %sub3A_109 = vector.broadcast %div3A_108 : vector<1x512xf32> to vector<16x512xf32>
    %sub3A_110 = arith.subf %dot_general3A_102, %sub3A_109 : vector<16x512xf32>
    %sub3A_111 = vector.broadcast %div3A_108 : vector<1x512xf32> to vector<16x512xf32>
    %sub3A_112 = arith.subf %dot_general3A_102, %sub3A_111 : vector<16x512xf32>
    %mul3A_113 = arith.mulf %sub3A_110, %sub3A_112 : vector<16x512xf32>
    %reduce_sum3A_114 = arith.constant dense<0.000000e+00> : vector<512xf32>
    %reduce_sum3A_115 = vector.multi_reduction <add>, %mul3A_113, %reduce_sum3A_114 [0] : vector<16x512xf32> to vector<512xf32>
    %broadcast_in_dim3A_116 = vector.shape_cast %reduce_sum3A_115 : vector<512xf32> to vector<1x512xf32>
    %div3A_117 = arith.constant 1.600000e+01 : f32
    %div3A_118 = vector.broadcast %div3A_117 : f32 to vector<1x512xf32>
    %div3A_119 = arith.divf %broadcast_in_dim3A_116, %div3A_118 : vector<1x512xf32>
    %sub3A_120 = vector.broadcast %div3A_108 : vector<1x512xf32> to vector<16x512xf32>
    %sub3A_121 = arith.subf %dot_general3A_102, %sub3A_120 : vector<16x512xf32>
    %add3A_122 = arith.constant 9.99999974E-6 : f32
    %add3A_123 = vector.broadcast %add3A_122 : f32 to vector<1x512xf32>
    %add3A_124 = arith.addf %div3A_119, %add3A_123 : vector<1x512xf32>
    %sqrt3A_125 = math.sqrt %add3A_124 : vector<1x512xf32>
    %div3A_126 = vector.broadcast %sqrt3A_125 : vector<1x512xf32> to vector<16x512xf32>
    %div3A_127 = arith.divf %sub3A_121, %div3A_126 : vector<16x512xf32>
    %mul3A_128 = arith.constant 2.000000e-01 : f32
    %mul3A_129 = vector.broadcast %mul3A_128 : f32 to vector<16x512xf32>
    %mul3A_130 = arith.mulf %mul3A_129, %div3A_127 : vector<16x512xf32>
    %max3A_131 = arith.maximumf %div3A_127, %mul3A_130 : vector<16x512xf32>
    %get3A_132 = arith.constant 0 : index
    %get3A_133 = arith.constant 0 : index
    %get3A_134 = vector.load %arg11[%get3A_132, %get3A_133] : memref<512x256xf32, #tpu.memory_space<vmem>>, vector<512x256xf32>
    %dot_general3A_135 = arith.constant dense<0.000000e+00> : vector<16x256xf32>
    %dot_general3A_136 = tpu.matmul %max3A_131, %get3A_134, %dot_general3A_135 {dimension_numbers = #tpu.dot_dimension_numbers<[1], [0], [0], [1], [0, 0, 1, 1], [], []>, transpose_lhs_hint = false} : vector<16x512xf32>, vector<512x256xf32>, vector<16x256xf32> -> vector<16x256xf32>
    %get3A_137 = arith.constant 0 : index
    %get3A_138 = arith.constant 0 : index
    %get3A_139 = vector.load %arg12[%get3A_137, %get3A_138] : memref<1x256xf32, #tpu.memory_space<vmem>>, vector<1x256xf32>
    %add3A_140 = vector.broadcast %get3A_139 : vector<1x256xf32> to vector<16x256xf32>
    %add3A_141 = arith.addf %dot_general3A_136, %add3A_140 : vector<16x256xf32>
    %reduce_sum3A_142 = arith.constant dense<0.000000e+00> : vector<256xf32>
    %reduce_sum3A_143 = vector.multi_reduction <add>, %add3A_141, %reduce_sum3A_142 [0] : vector<16x256xf32> to vector<256xf32>
    %broadcast_in_dim3A_144 = vector.shape_cast %reduce_sum3A_143 : vector<256xf32> to vector<1x256xf32>
    %div3A_145 = arith.constant 1.600000e+01 : f32
    %div3A_146 = vector.broadcast %div3A_145 : f32 to vector<1x256xf32>
    %div3A_147 = arith.divf %broadcast_in_dim3A_144, %div3A_146 : vector<1x256xf32>
    %sub3A_148 = vector.broadcast %div3A_147 : vector<1x256xf32> to vector<16x256xf32>
    %sub3A_149 = arith.subf %add3A_141, %sub3A_148 : vector<16x256xf32>
    %sub3A_150 = vector.broadcast %div3A_147 : vector<1x256xf32> to vector<16x256xf32>
    %sub3A_151 = arith.subf %add3A_141, %sub3A_150 : vector<16x256xf32>
    %mul3A_152 = arith.mulf %sub3A_149, %sub3A_151 : vector<16x256xf32>
    %reduce_sum3A_153 = arith.constant dense<0.000000e+00> : vector<256xf32>
    %reduce_sum3A_154 = vector.multi_reduction <add>, %mul3A_152, %reduce_sum3A_153 [0] : vector<16x256xf32> to vector<256xf32>
    %broadcast_in_dim3A_155 = vector.shape_cast %reduce_sum3A_154 : vector<256xf32> to vector<1x256xf32>
    %div3A_156 = arith.constant 1.600000e+01 : f32
    %div3A_157 = vector.broadcast %div3A_156 : f32 to vector<1x256xf32>
    %div3A_158 = arith.divf %broadcast_in_dim3A_155, %div3A_157 : vector<1x256xf32>
    %sub3A_159 = vector.broadcast %div3A_147 : vector<1x256xf32> to vector<16x256xf32>
    %sub3A_160 = arith.subf %add3A_141, %sub3A_159 : vector<16x256xf32>
    %add3A_161 = arith.constant 9.99999974E-6 : f32
    %add3A_162 = vector.broadcast %add3A_161 : f32 to vector<1x256xf32>
    %add3A_163 = arith.addf %div3A_158, %add3A_162 : vector<1x256xf32>
    %sqrt3A_164 = math.sqrt %add3A_163 : vector<1x256xf32>
    %div3A_165 = vector.broadcast %sqrt3A_164 : vector<1x256xf32> to vector<16x256xf32>
    %div3A_166 = arith.divf %sub3A_160, %div3A_165 : vector<16x256xf32>
    %mul3A_167 = arith.constant 2.000000e-01 : f32
    %mul3A_168 = vector.broadcast %mul3A_167 : f32 to vector<16x256xf32>
    %mul3A_169 = arith.mulf %mul3A_168, %div3A_166 : vector<16x256xf32>
    %max3A_170 = arith.maximumf %div3A_166, %mul3A_169 : vector<16x256xf32>
    %get3A_171 = arith.constant 0 : index
    %get3A_172 = arith.constant 0 : index
    %get3A_173 = vector.load %arg13[%get3A_171, %get3A_172] : memref<256x40xf32, #tpu.memory_space<vmem>>, vector<256x40xf32>
    %dot_general3A_174 = arith.constant dense<0.000000e+00> : vector<16x40xf32>
    %dot_general3A_175 = tpu.matmul %max3A_170, %get3A_173, %dot_general3A_174 {dimension_numbers = #tpu.dot_dimension_numbers<[1], [0], [0], [1], [0, 0, 1, 1], [], []>, transpose_lhs_hint = false} : vector<16x256xf32>, vector<256x40xf32>, vector<16x40xf32> -> vector<16x40xf32>
    %get3A_176 = arith.constant 0 : index
    %get3A_177 = arith.constant 0 : index
    %get3A_178 = vector.load %arg14[%get3A_176, %get3A_177] : memref<1x40xf32, #tpu.memory_space<vmem>>, vector<1x40xf32>
    %add3A_179 = vector.broadcast %get3A_178 : vector<1x40xf32> to vector<16x40xf32>
    %add3A_180 = arith.addf %dot_general3A_175, %add3A_179 : vector<16x40xf32>
    %swap3A = arith.constant 0 : index
    %swap3A_181 = arith.constant 0 : index
    %swap3A_182 = vector.load %arg15[%swap3A, %swap3A_181] : memref<16x40xf32, #tpu.memory_space<vmem>>, vector<16x40xf32>
    tpu.vector_store %arg15[%swap3A, %swap3A_181], %add3A_180 {strides = array<i32>} : memref<16x40xf32, #tpu.memory_space<vmem>>, vector<16x40xf32>,
    return
  }
}

</mosaic_0001>

<sc_bundles>
// kernel: gather_offload_async_start.1
scs
__scs_entry_jumppad:
0x0: {  	(pc) =	sbr.rel $0x88, $3  }
0x1: {  	(tag) =	ssettag $0x0;
	lr =	simm.s32 $0x1  }
0x2: {  	[smem:$0x3F8A] =	sst lr;
	_ =	strace $0xD0000000  }
0x3: {  	_ = 	snop  }
0x4: {  	_ = 	snop  }
0x5: {  	_ = 	snop  }
0x6: {  	_ = 	snop  }
0x7: {  	_ = 	snop  }
__scs_overlays_trampoline_lowered:
0x8: {  	[smem:$0x3F99] =	sst s0  }
0x9: {  	[smem:$0x3F9A] =	sst s1  }
0xa: {  	[smem:$0x3F9B] =	sst s2  }
0xb: {  	[smem:$0x3F9C] =	sst s3  }
0xc: {  	[smem:$0x3F9D] =	sst s4  }
0xd: {  	[smem:$0x3F9E] =	sst s5  }
0xe: {  	[smem:$0x3F9F] =	sst s6  }
0xf: {  	[smem:$0x3FA0] =	sst s7  }
0x10: {  	[smem:$0x3FA1] =	sst s8  }
0x11: {  	[smem:$0x3FA2] =	sst s9;
	s0 =	simm.s32 @!p0 $0x0  }
0x12: {  	s1 =	sld [smem:$0x3F88];
	s0 =	simm.s32 @p0 $0x1  }
0x13: {  	[smem:$0x3FA3] =	sst s0;
	s0 =	simm.s32 @!p1 $0x0  }
0x14: {  	s2 =	sld [smem:$0x3F87];
	s0 =	simm.s32 @p1 $0x1  }
0x15: {  	[smem:$0x3FA4] =	sst s0;
	s0 =	simm.s32 @!p2 $0x0  }
0x16: {  	s3 =	sld [smem:$0x3FDB];
	s0 =	simm.s32 @p2 $0x1  }
0x17: {  	s4 =	simm.s32 $0x1BF5;
	[smem:$0x3FA6] =	sst s0  }
0x18: {  	s0 =	sld [smem:$0x3F89];
	_ =	swait.ge [sflag:s4], $0x0  }
0x19: {  	s7 =	sld [smem:$0x3F8A]  }
0x1a: {  	s8 =	sadd.s32 $0xFFFFE003, lr  }
0x1b: {  	s9 =	sadd.s32 $0xFFFFFEF7, lr;
	s5 =	simm.s32 $0xFFFFFFFF;
	p2 =	slt.u32 s8, $0xFFFFF086  }
0x1c: {  	p1 =	slt.u32 s9, $0xF7A;
	s5 =	simm.s32 @!p2 $0x0  }
0x1d: {  	s5 =	simm.s32 @p1 $0x1;
	p0 =	seq.s32 s7, s2  }
0x1e: {  	s7 =	smul.u32 @!p0 $0xF7A, s2;
	p2 =	seq.s32 @!p0 s5, $0x0  }
0x1f: {  	s9 =	smul.u32 $0xF7A, s1;
	s8 =	simm.s32 @!p0 $0x1BF5;
	p2 =	por !p2, p0  }
0x20: {  	[sflag:s8] =	ssyncset.s32 @!p0 $0xFFFFF086;
	s6 =	sadd.s32 @!p0 s3, s7;
	s7 =	simm.s32 @!p0 $0x108  }
0x21: {  	s3 =	sadd.s32 s3, s9;
	s6 =	sadd.s32 @!p0 $0x88, s6;
	s7 =	simm.s32 @p2 $0x1082  }
0x22: {  	[simem:s7], [sflag:s8] =	dma.local @!p0 [hbm:s6], $0xF7A  }
0x23: {  	s9 =	sor.u32 $0xD0000000, s2;
	s6 =	simm.s32 $0x108;
	_ =	swait.ge @!p0 [sflag:s8], $0x0  }
0x24: {  	s3 =	sadd.s32 $0x88, s3;
	s6 =	simm.s32 @!p1 $0x1082;
	[sflag:s4] =	ssyncset.s32 $0xFFFFF086  }
0x25: {  	[simem:s6], [sflag:s4] =	dma.local [hbm:s3], $0xF7A  }
0x26: {  	[smem:$0x3F8A] =	sst s1;
	(tag) =	ssettag s2;
	_ =	strace s9  }
0x27: {  	s1 =	sld [smem:$0x3F9A]  }
0x28: {  	s2 =	sld [smem:$0x3F9B]  }
0x29: {  	s4 =	sld [smem:$0x3F9D]  }
0x2a: {  	p0 =	seq.s32 s5, $0x0;
	s5 =	sld [smem:$0x3F9E]  }
0x2b: {  	s6 =	sld [smem:$0x3F9F]  }
0x2c: {  	s7 =	sld [smem:$0x3FA0]  }
0x2d: {  	s3 =	simm.s32 $0x108;
	s8 =	sld [smem:$0x3FA1]  }
0x2e: {  	s3 =	simm.s32 @!p0 $0x1082;
	s9 =	sld [smem:$0x3FA2]  }
0x2f: {  	lr =	sadd.s32 s0, s3;
	s0 =	sld [smem:$0x3F99]  }
0x30: {  	s3 =	sld [smem:$0x3F9C]  }
0x31: {  	[smem:$0x3FA5] =	sst s10  }
0x32: {  	s10 =	sld [smem:$0x3FA3];
	_ =	sdelay $0x3  }
0x33: {  	p0 =	seq.s32 s10, $0x1;
	s10 =	sld [smem:$0x3FA5];
	_ =	sdelay $0x3  }
0x34: {  	[smem:$0x3FA5] =	sst s10  }
0x35: {  	s10 =	sld [smem:$0x3FA4];
	_ =	sdelay $0x3  }
0x36: {  	p1 =	seq.s32 s10, $0x1;
	s10 =	sld [smem:$0x3FA5];
	_ =	sdelay $0x3  }
0x37: {  	[smem:$0x3FA5] =	sst s10  }
0x38: {  	s10 =	sld [smem:$0x3FA6]  }
0x39: {  	_ = 	snop;
	(pc) =	sbr.ind lr, $3  }
0x3a: {  	_ = 	snop  }
0x3b: {  	_ = 	snop  }
0x3c: {  	p2 =	seq.s32 s10, $0x1;
	s10 =	sld [smem:$0x3FA5]  }
0x3d: {  	_ =	shalt  }
0x3e: {  	_ =	shalt  }
0x3f: {  	_ =	shalt  }
0x40: {  	_ =	shalt  }
0x41: {  	_ =	shalt  }
0x42: {  	_ =	shalt  }
0x43: {  	_ =	shalt  }
0x44: {  	_ =	shalt  }
0x45: {  	_ =	shalt  }
0x46: {  	_ =	shalt  }
0x47: {  	_ =	shalt  }
0x48: {  	_ =	shalt  }
0x49: {  	_ =	shalt  }
0x4a: {  	_ =	shalt  }
0x4b: {  	_ =	shalt  }
0x4c: {  	_ =	shalt  }
0x4d: {  	_ =	shalt  }
0x4e: {  	_ =	shalt  }
0x4f: {  	_ =	shalt  }
0x50: {  	_ =	shalt  }
0x51: {  	_ =	shalt  }
0x52: {  	_ =	shalt  }
0x53: {  	_ =	shalt  }
0x54: {  	_ =	shalt  }
0x55: {  	_ =	shalt  }
0x56: {  	_ =	shalt  }
0x57: {  	_ =	shalt  }
0x58: {  	_ =	shalt  }
0x59: {  	_ =	shalt  }
0x5a: {  	_ =	shalt  }
0x5b: {  	_ =	shalt  }
0x5c: {  	_ =	shalt  }
0x5d: {  	_ =	shalt  }
0x5e: {  	_ =	shalt  }
0x5f: {  	_ =	shalt  }
0x60: {  	_ =	shalt  }
0x61: {  	_ =	shalt  }
0x62: {  	_ =	shalt  }
0x63: {  	_ =	shalt  }
0x64: {  	_ =	shalt  }
0x65: {  	_ =	shalt  }
0x66: {  	_ =	shalt  }
0x67: {  	_ =	shalt  }
0x68: {  	_ =	shalt  }
0x69: {  	_ =	shalt  }
0x6a: {  	_ =	shalt  }
0x6b: {  	_ =	shalt  }
0x6c: {  	_ =	shalt  }
0x6d: {  	_ =	shalt  }
0x6e: {  	_ =	shalt  }
0x6f: {  	_ =	shalt  }
0x70: {  	_ =	shalt  }
0x71: {  	_ =	shalt  }
0x72: {  	_ =	shalt  }
0x73: {  	_ =	shalt  }
0x74: {  	_ =	shalt  }
0x75: {  	_ =	shalt  }
0x76: {  	_ =	shalt  }
0x77: {  	_ =	shalt  }
0x78: {  	_ =	shalt  }
0x79: {  	_ =	shalt  }
0x7a: {  	_ =	shalt  }
0x7b: {  	_ =	shalt  }
0x7c: {  	_ =	shalt  }
0x7d: {  	_ =	shalt  }
0x7e: {  	_ =	shalt  }
0x7f: {  	_ =	shalt  }
0x80: {  	_ =	shalt  }
0x81: {  	_ =	shalt  }
0x82: {  	_ =	shalt  }
0x83: {  	_ =	shalt  }
0x84: {  	_ =	shalt  }
0x85: {  	_ =	shalt  }
0x86: {  	_ =	shalt  }
0x87: {  	_ =	shalt  }
.Lfunc_end0:
.L_simem_size_0:
called_computation.4_lowered:
.L_overlay_start_0:
0x88: {  	s2 =	sld [smem:$0x3FD9]  }
0x89: {  	s3 =	sld [smem:$0x3FFE];
	_ =	sdelay $0x1  }
0x8a: {  	s1 =	srdreg.scid  }
0x8b: {  	s0 =	sand.u32 $0x1, s1  }
0x8c: {  	s14 =	sshll.u32 s0, $0xA;
	s2 =	sadd.s32 s3, s2  }
0x8d: {  	s2 =	sadd.s32 s2, s14  }
0x8e: {  	[smem:$0x3FB1] =	sst s2  }
0x8f: {  	_ = 	snop  }
0x90: {  	s2 =	sld [smem:$0x3FD0];
	_ =	sdelay $0x2  }
0x91: {  	s15 =	simm.s32 $0xA;
	s4 =	simm.s32 $0x10  }
0x92: {  	[smem:s4], [sflag:s15] =	dma.local [hbm:s2], $0x1  }
0x93: {  	_ =	swait.eq [sflag:s15], $0x1  }
0x94: {  	[sflag:s15] =	ssyncset.done $0x0  }
0x95: {  	[sflag:s15] =	ssyncadd.s32 $0xFFFFFFFF  }
0x96: {  	s16 =	sld [smem:$0x12];
	(tm) =	ssettm $0x1  }
0x97: {  	s17 =	sld [smem:$0x3FFB];
	_ =	sdelay $0x3  }
0x98: {  	_ =	strace s17  }
0x99: {  	s3 =	sld [smem:$0x3FFC];
	_ =	sdelay $0x3  }
0x9a: {  	_ =	strace s3  }
0x9b: {  	s3 =	sld [smem:$0x3FFD];
	_ =	sdelay $0x3  }
0x9c: {  	_ =	strace s3  }
0x9d: {  	_ =	strace $0x8FFFFFFF  }
0x9e: {  	s18 =	sld [smem:$0x3FDB];
	_ =	sdelay $0x1  }
0x9f: {  	s19 =	simm.s32 $_scs_section_size  }
0xa0: {  	s5 =	simm.s32 $_size__tile_overlayer_lowered;
	s6 =	simm.s32 $_tile_overlayer_lowered  }
0xa1: {  	s22 =	simm.s32 $0x1BFF;
	s21 =	sshll.u32 s6, $0x1;
	s3 =	sadd.s32 s19, s18  }
0xa2: {  	s7 =	simm.s32 $0x0;
	s20 =	sshll.u32 s5, $0x1;
	s5 =	sadd.s32 s21, s3  }
0xa3: {  	[timem:s7], [sflag:s22] =	dma.local [hbm:s5], s20  }
0xa4: {  	_ =	swait.ge [sflag:s22], s20  }
0xa5: {  	s4 =	ssub.s32 $0x0, s20;
	[sflag:s22] =	ssyncset.done $0x0  }
0xa6: {  	[sflag:s22] =	ssyncadd.s32 s4;
	_ =	sdelay $0x1  }
0xa7: {  	s23 =	simm.s32 $0x1B8B  }
0xa8: {  	_ =	swait.ge [sflag:s23], $0x1  }
0xa9: {  	[sflag:s23] =	ssyncset.done $0x0  }
0xaa: {  	s25 =	simm.s32 $0x1B8E;
	s24 =	sld [smem:$0x3FFE];
	[sflag:s23] =	ssyncadd.s32 $0xFFFFFFFF  }
0xab: {  	s26 =	simm.s32 $execute0_lowered;
	[smem:$0x3FD2] =	sst s25  }
0xac: {  	s5 =	sshll.u32 s26, $0x1;
	_ =	strace $0x8000004F;
	[dreg:$0x1] =	wrdreg $0xFFFFFFFF  }
0xad: {  	s28 =	simm.s32 $_size_execute0_lowered;
	s3 =	sadd.s32 s3, s5;
	[dreg:$0x0] =	wrdreg $0x0  }
0xae: {  	s5 =	sshll.u32 s28, $0x1;
	[dreg:$0x2] =	wrdreg s3  }
0xaf: {  	[dreg:$0x3] =	wrdreg s5  }
0xb0: {  	[dreg:$0x4] =	wrdreg $0xC0  }
0xb1: {  	_ =	task [dreg:s7], $0x5FFFF  }
0xb2: {  	[dreg:$0x1] =	wrdreg $0xFFFFFFFF  }
0xb3: {  	[dreg:$0x0] =	wrdreg $0x60  }
0xb4: {  	[dreg:$0x2] =	wrdreg s24  }
0xb5: {  	[dreg:$0x3] =	wrdreg s16  }
0xb6: {  	[dreg:$0x4] =	wrdreg $0x9  }
0xb7: {  	_ =	task.clear_ibuf [dreg:s7], $0x5FFFF;
	_ =	strace $0x9000004F  }
0xb8: {  	s29 =	simm.s32 $0x9;
	_ =	strace $0x80000051  }
0xb9: {  	_ =	swait.ge [sflag:s29], $0x1  }
0xba: {  	[sflag:s29] =	ssyncadd.s32 $0xFFFFFFFF  }
0xbb: {  	_ =	strace $0x90000051  }
0xbc: {  	_ =	sfence  }
0xbd: {  	s30 =	sld [smem:$0x0];
	_ =	sdelay $0x2  }
0xbe: {  	s31 =	sshll.u32 s1, $0xD;
	s1 =	sshrl.u32 s1, $0x2  }
0xbf: {  	s3 =	sand.u32 $0x4000, s31;
	s1 =	sadd.s32 s1, s30  }
0xc0: {  	s0 =	sor.u32 s3, s0;
	s1 =	sshll.u32 s1, $0x11  }
0xc1: {  	s0 =	sor.u32 s1, s0  }
0xc2: {  	s0 =	sadd.s32 $0x8F2B, s0  }
0xc3: {  	[sflag:s0] =	ssyncadd.remote.s32 $0x1  }
0xc4: {  	_ =	sfence.sel $0xFFFF  }
0xc5: {  	[dreg:$0x0] =	wrdreg $0xFFFFFFFF;
	(pc) =	sbr.abs _section_cstart, $3  }
0xc6: {  	[dreg:$0x1] =	wrdreg $0xFFFFFFFF  }
0xc7: {  	_ =	task.clear_ibuf [dreg:s7], $0x2FFFF;
	_ =	strace $0x9FFFFFFF  }
0xc8: {  	(tm) =	ssettm $0x7FFFFFFF  }
0xc9: {  	_ =	shalt  }
tec
execute0_lowered:
.L_overlay_start_1:
0x0: {  	(tag) =	ssettag $0x1  }
0x1: {  	s2 =	rddreg [dreg:$0x0]  }
0x2: {  	s3 =	rddreg [dreg:$0x1]  }
0x3: {  	s0 =	rddreg [dreg:$0x2];
	s1 =	srdreg.scid;
	_ =	strace $0x80000050  }
0x4: {  	s4 =	simm.s32 $0x1;
	s9 =	simm.s32 $0x3;
	s5 =	sshll.u32 s1, $0x4  }
.Ltmp0:
0x5: {  	s1 =	stileid.u32;
	s5 =	sand.u32 $0x10, s5;
	(pc) =	sbr.rel .LBB2_1-.Ltmp0, $4  }
0x6: {  	s12 =	simm.s32 $0x0;
	s10 =	simm.s32 $0x0;
	s6 =	sor.u32 s1, s5  }
0x7: {  	[sflag:s4] =	ssyncpa.u1 $0x0;
	s5 =	simm.s32 $0x2;
	s6 =	sshll.u32 s6, $0x7  }
0x8: {  	s7 =	sadd.s32 $0x81000, s2;
	[sflag:s5] =	ssyncpa.u1 $0x0;
	s8 =	sadd.s32 $0x80, s6  }
0x9: {  	vm0 =	vmmov $0xff;
	vm1 =	vcmask $0x3F20;
	[sflag:s9] =	ssyncpa.u1 $0x0;
	s9 =	simm.s32 $0x80;
	s11 =	smov.u32 s6  }
.LBB2_9:
0xa: {  	p0 =	seq.s32 s10, $0x2  }
.Ltmp1:
0xb: {  	_ = 	snop;
	(pc) =	sbr.rel @p0 .LBB2_11-.Ltmp1, $1  }
0xc: {  	_ =	sdelay $0x3  }
.LBB2_10:
0xd: {  	s12 =	sadd.s32 $0x80, s11  }
0xe: {  	s13 =	smov.u32 s6;
	p0 =	slt.s32 s12, s8  }
0xf: {  	s13 =	smov.u32 @p0 s12  }
0x10: {  	s10 =	sadd.s32 $0x1, s10;
	s12 =	smov.u32 s11;
	s11 =	smov.u32 s13  }
.LBB2_1:
0x11: {  	p0 =	sne.s32 s10, $0x0  }
.Ltmp2:
0x12: {  	_ = 	snop;
	(pc) =	sbr.rel @!p0 .LBB2_2-.Ltmp2, $1  }
0x13: {  	_ =	sdelay $0x3  }
0x14: {  	s13 =	sand.u32 $0x1, s10  }
0x15: {  	p0 =	seq.s32 s13, $0x0  }
.Ltmp3:
0x16: {  	_ = 	snop;
	(pc) =	sbr.rel @p0 .LBB2_9-.Ltmp3, $1  }
0x17: {  	_ =	sdelay $0x3  }
0x18: {  	_ =	swait.ge [sflag:s5], $0x80  }
0x19: {  	[sflag:s5] =	ssyncset.done $0x0  }
0x1a: {  	s13 =	simm.s32 $0x0;
	[sflag:s5] =	ssyncadd.s32 $0xFFFFFF80  }
0x1b: {  	v0 =	vld.msk [tilespmem:s13+$0x80 ss:$0x1], $0xffff;
	_ =	sdelay $0x4  }
0x1c: {  	v1 =	vshll.u32 v0, $0x3  }
0x1d: {  	vm2 =	veq.s32 v0, $0x80000000;
	v0 =	vshll.u32 v0, $0x11;
	v1 =	vand.u32 $0x1FF80, v1  }
0x1e: {  	v0 =	vand.u32 $0x1E0000, v0;
	v1 =	vsel vm2, $0xFFFFFF80, v1  }
0x1f: {  	v0 =	vsel vm2, $0xFFFE0000, v0;
	v2 =	vand.u32 $0xFFFFFC00, v1  }
0x20: {  	v1 =	vand.u32 $0x380, v1;
	v0 =	vadd.s32 v0, v2  }
0x21: {  	v0 =	vor.u32 v1, v0  }
0x22: {  	v0 =	vshrl.u32 v0, $0x3;
	_ =	sdelay $0x3  }
0x23: {  	s13 =	simm.s32 $0x4100  }
0x24: {  	[tilespmem:s13], [sflag:$0x1] =	stream.indirect_vreg.gather [hbm:s2], $0x80, v0, vm0, $0x38;
	[tilespmem:$0x8100] =	vst v63  }
0x25: {  	s14 =	simm.s32 $0x4500;
	s31 =	simm.s32 $0x10  }
0x26: {  	[tilespmem:s14], [sflag:$0x1] =	stream.indirect_vreg.gather [hbm:s2], $0x80, v0, vm1, $0x38;
	[tilespmem:$0x8100] =	vst v63  }
0x27: {  	s14 =	simm.s32 $0x80;
	v0 =	vld.msk [tilespmem:s31+$0x80 ss:$0x1], $0xffff  }
.LBB2_5:
0x28: {  	p0 =	sne.s32 s14, $0x1C0;
	_ =	sdelay $0x4  }
0x29: {  	v1 =	vshll.u32 v0, $0x3  }
0x2a: {  	vm2 =	veq.s32 v0, $0x80000000;
	v0 =	vshll.u32 v0, $0x11;
	v1 =	vand.u32 $0x1FF80, v1  }
0x2b: {  	v0 =	vand.u32 $0x1E0000, v0;
	v1 =	vsel vm2, $0xFFFFFF80, v1  }
0x2c: {  	v0 =	vsel vm2, $0xFFFE0000, v0;
	v2 =	vand.u32 $0xFFFFFC00, v1  }
0x2d: {  	v1 =	vand.u32 $0x380, v1;
	v0 =	vadd.s32 v0, v2  }
0x2e: {  	v0 =	vor.u32 v1, v0  }
0x2f: {  	v0 =	vshrl.u32 v0, $0x3;
	_ =	sdelay $0x3  }
.Ltmp4:
0x30: {  	s13 =	sadd.s32 $0x800, s13;
	(pc) =	sbr.rel @p0 .LBB2_5-.Ltmp4, $4  }
0x31: {  	[tilespmem:s13], [sflag:$0x1] =	stream.indirect_vreg.gather [hbm:s2], $0x80, v0, vm0, $0x38;
	[tilespmem:$0x8100] =	vst v63  }
0x32: {  	s15 =	sshra.s32 s14, $0x2;
	s16 =	sadd.s32 $0x400, s13  }
0x33: {  	[tilespmem:s16], [sflag:$0x1] =	stream.indirect_vreg.gather [hbm:s2], $0x80, v0, vm1, $0x38;
	[tilespmem:$0x8100] =	vst v63  }
0x34: {  	s14 =	sadd.s32 $0x40, s14;
	v0 =	vld.msk [tilespmem:s15+$0x80 ss:$0x1], $0xffff  }
0x35: {  	_ =	sdelay $0x3  }
0x36: {  	v1 =	vshll.u32 v0, $0x3  }
0x37: {  	vm2 =	veq.s32 v0, $0x80000000;
	v63 =	vshll.u32 v0, $0x11;
	v1 =	vand.u32 $0x1FF80, v1  }
0x38: {  	v0 =	vand.u32 $0x1E0000, v63;
	v1 =	vsel vm2, $0xFFFFFF80, v1  }
0x39: {  	v0 =	vsel vm2, $0xFFFE0000, v0;
	v2 =	vand.u32 $0xFFFFFC00, v1  }
0x3a: {  	v1 =	vand.u32 $0x380, v1;
	v0 =	vadd.s32 v0, v2  }
0x3b: {  	v0 =	vor.u32 v1, v0  }
0x3c: {  	v0 =	vshrl.u32 v0, $0x3;
	_ =	sdelay $0x3  }
0x3d: {  	s13 =	sadd.s32 $0x800, s13  }
0x3e: {  	[tilespmem:s13], [sflag:$0x1] =	stream.indirect_vreg.gather [hbm:s2], $0x80, v0, vm0, $0x38;
	[tilespmem:$0x8100] =	vst v63  }
0x3f: {  	s13 =	sadd.s32 $0x400, s13  }
0x40: {  	[tilespmem:s13], [sflag:$0x1] =	stream.indirect_vreg.gather [hbm:s2], $0x80, v0, vm1, $0x38;
	[tilespmem:$0x8100] =	vst v63  }
0x41: {  	s12 =	sshll.u32 s12, $0x4;
	s14 =	simm.s32 $0x80;
	_ =	swait.ge [sflag:s4], $0x4000  }
0x42: {  	s15 =	simm.s32 $0x4500;
	s12 =	sadd.s32 s12, s7;
	[sflag:s4] =	ssyncset.done $0x0  }
0x43: {  	s16 =	sadd.s32 $0x0, s12;
	s13 =	simm.s32 $0x4100;
	[sflag:s4] =	ssyncadd.s32 $0xFFFFC000  }
.LBB2_7:
0x44: {  	[hbm:s16] =	stream.linear.scatter [tilespmem:s13], [sflag:$0x3], $0x400, $0x38;
	[tilespmem:$0x8100] =	vst v63  }
0x45: {  	s16 =	smov.u32 s14;
	s13 =	smov.u32 s15;
	p0 =	sne.s32 s14, $0x780  }
.Ltmp5:
0x46: {  	s14 =	sadd.s32 $0x80, s14;
	(pc) =	sbr.rel @p0 .LBB2_7-.Ltmp5, $2  }
0x47: {  	_ =	sdelay $0x2  }
0x48: {  	s15 =	sadd.s32 $0x400, s15;
	s16 =	sadd.s32 s16, s12  }
.Ltmp6:
0x49: {  	(pc) =	sbr.rel .LBB2_9-.Ltmp6, $2  }
0x4a: {  	_ =	sdelay $0x2  }
0x4b: {  	[hbm:s16] =	stream.linear.scatter [tilespmem:s13], [sflag:$0x3], $0x400, $0x38;
	[tilespmem:$0x8100] =	vst v63  }
.LBB2_2:
.Ltmp7:
0x4c: {  	(pc) =	sbr.rel .LBB2_10-.Ltmp7, $4  }
0x4d: {  	_ = 	snop  }
0x4e: {  	s12 =	sshrl.u32 s11, $0x3  }
0x4f: {  	s13 =	sand.u32 $0x7, s11;
	s12 =	sadd.s32 s3, s12  }
0x50: {  	[tilespmem:s9], [sflag:$0x2] =	stream.linear.gather [hbm4b:s12+s13], $0x80, $0x38;
	[tilespmem:$0x8100] =	vst v63  }
.LBB2_11:
0x51: {  	s2 =	simm.s32 $0x3  }
0x52: {  	_ =	swait.ge [sflag:s2], $0x4000  }
0x53: {  	[sflag:s2] =	ssyncset.done $0x0  }
0x54: {  	[sflag:s2] =	ssyncadd.s32 $0xFFFFC000  }
0x55: {  	_ =	sfence.sel $0x180000  }
0x56: {  	s3 =	simm.s32 $0x2;
	[bflag:$0x0] =	sbarrier.arrive $0xFFFF  }
0x57: {  	[sflag:s3] =	ssyncpa.u1 $0x1  }
0x58: {  	s31 =	simm.s32 $0x1;
	[sflag:s2] =	ssyncpa.u1 $0x1  }
0x59: {  	[sflag:s31] =	ssyncpa.u1 $0x1  }
0x5a: {  	p0 =	sne.s32 s1, $0x0;
	_ =	strace $0x90000050  }
0x5b: {  	s0 =	sadd.s32 @!p0 $0x100000, s0;
	[bflag:$0x2] =	sbarrier.arrive $0xFFFF  }
0x5c: {  	[sflag:s0] =	ssyncadd.tile.s32 @!p0 $0x1;
	_ =	shalt  }
.Lfunc_end2:
_tile_overlayer_lowered:
.L_overlay_start_2:
0x5d: {  	(tag) =	ssettag $0x2  }
0x5e: {  	s0 =	rddreg [dreg:$0x0];
	s2 =	stileid.u32  }
0x5f: {  	s1 =	rddreg [dreg:$0x1];
	p0 =	sne.s32 s2, $0x0  }
0x60: {  	s3 =	rddreg [dreg:$0x2];
	[bflag:$0x3] =	sbarrier.arrive $0xFFFF;
	s2 =	simm.s32 @!p0 $0x1C01  }
0x61: {  	[timem:s3], [sflag:s2] =	dma.local @!p0 [hbm:s0], s1  }
0x62: {  	s0 =	simm.s32 @!p0 $0x1  }
0x63: {  	_ =	swait.ge @!p0 [sflag:s0], s1  }
0x64: {  	s1 =	ssub.s32 @!p0 $0x0, s1;
	[sflag:s0] =	ssyncset.done @!p0 $0x0  }
0x65: {  	[sflag:s0] =	ssyncadd.s32 @!p0 s1  }
0x66: {  	[bflag:$0x3] =	sbarrier.arrive $0xFFFF  }
0x67: {  	_ =	shalt  }

// kernel: gather_offload_async_start
scs
__scs_entry_jumppad:
0x0: {  	(pc) =	sbr.rel $0x88, $3  }
0x1: {  	(tag) =	ssettag $0x0;
	lr =	simm.s32 $0x1  }
0x2: {  	[smem:$0x3F8A] =	sst lr;
	_ =	strace $0xD0000000  }
0x3: {  	_ = 	snop  }
0x4: {  	_ = 	snop  }
0x5: {  	_ = 	snop  }
0x6: {  	_ = 	snop  }
0x7: {  	_ = 	snop  }
__scs_overlays_trampoline_lowered:
0x8: {  	[smem:$0x3F99] =	sst s0  }
0x9: {  	[smem:$0x3F9A] =	sst s1  }
0xa: {  	[smem:$0x3F9B] =	sst s2  }
0xb: {  	[smem:$0x3F9C] =	sst s3  }
0xc: {  	[smem:$0x3F9D] =	sst s4  }
0xd: {  	[smem:$0x3F9E] =	sst s5  }
0xe: {  	[smem:$0x3F9F] =	sst s6  }
0xf: {  	[smem:$0x3FA0] =	sst s7  }
0x10: {  	[smem:$0x3FA1] =	sst s8  }
0x11: {  	[smem:$0x3FA2] =	sst s9;
	s0 =	simm.s32 @!p0 $0x0  }
0x12: {  	s1 =	sld [smem:$0x3F88];
	s0 =	simm.s32 @p0 $0x1  }
0x13: {  	[smem:$0x3FA3] =	sst s0;
	s0 =	simm.s32 @!p1 $0x0  }
0x14: {  	s2 =	sld [smem:$0x3F87];
	s0 =	simm.s32 @p1 $0x1  }
0x15: {  	[smem:$0x3FA4] =	sst s0;
	s0 =	simm.s32 @!p2 $0x0  }
0x16: {  	s3 =	sld [smem:$0x3FDB];
	s0 =	simm.s32 @p2 $0x1  }
0x17: {  	s4 =	simm.s32 $0x1BF5;
	[smem:$0x3FA6] =	sst s0  }
0x18: {  	s0 =	sld [smem:$0x3F89];
	_ =	swait.ge [sflag:s4], $0x0  }
0x19: {  	s7 =	sld [smem:$0x3F8A]  }
0x1a: {  	s8 =	sadd.s32 $0xFFFFE003, lr  }
0x1b: {  	s9 =	sadd.s32 $0xFFFFFEF7, lr;
	s5 =	simm.s32 $0xFFFFFFFF;
	p2 =	slt.u32 s8, $0xFFFFF086  }
0x1c: {  	p1 =	slt.u32 s9, $0xF7A;
	s5 =	simm.s32 @!p2 $0x0  }
0x1d: {  	s5 =	simm.s32 @p1 $0x1;
	p0 =	seq.s32 s7, s2  }
0x1e: {  	s7 =	smul.u32 @!p0 $0xF7A, s2;
	p2 =	seq.s32 @!p0 s5, $0x0  }
0x1f: {  	s9 =	smul.u32 $0xF7A, s1;
	s8 =	simm.s32 @!p0 $0x1BF5;
	p2 =	por !p2, p0  }
0x20: {  	[sflag:s8] =	ssyncset.s32 @!p0 $0xFFFFF086;
	s6 =	sadd.s32 @!p0 s3, s7;
	s7 =	simm.s32 @!p0 $0x108  }
0x21: {  	s3 =	sadd.s32 s3, s9;
	s6 =	sadd.s32 @!p0 $0x88, s6;
	s7 =	simm.s32 @p2 $0x1082  }
0x22: {  	[simem:s7], [sflag:s8] =	dma.local @!p0 [hbm:s6], $0xF7A  }
0x23: {  	s9 =	sor.u32 $0xD0000000, s2;
	s6 =	simm.s32 $0x108;
	_ =	swait.ge @!p0 [sflag:s8], $0x0  }
0x24: {  	s3 =	sadd.s32 $0x88, s3;
	s6 =	simm.s32 @!p1 $0x1082;
	[sflag:s4] =	ssyncset.s32 $0xFFFFF086  }
0x25: {  	[simem:s6], [sflag:s4] =	dma.local [hbm:s3], $0xF7A  }
0x26: {  	[smem:$0x3F8A] =	sst s1;
	(tag) =	ssettag s2;
	_ =	strace s9  }
0x27: {  	s1 =	sld [smem:$0x3F9A]  }
0x28: {  	s2 =	sld [smem:$0x3F9B]  }
0x29: {  	s4 =	sld [smem:$0x3F9D]  }
0x2a: {  	p0 =	seq.s32 s5, $0x0;
	s5 =	sld [smem:$0x3F9E]  }
0x2b: {  	s6 =	sld [smem:$0x3F9F]  }
0x2c: {  	s7 =	sld [smem:$0x3FA0]  }
0x2d: {  	s3 =	simm.s32 $0x108;
	s8 =	sld [smem:$0x3FA1]  }
0x2e: {  	s3 =	simm.s32 @!p0 $0x1082;
	s9 =	sld [smem:$0x3FA2]  }
0x2f: {  	lr =	sadd.s32 s0, s3;
	s0 =	sld [smem:$0x3F99]  }
0x30: {  	s3 =	sld [smem:$0x3F9C]  }
0x31: {  	[smem:$0x3FA5] =	sst s10  }
0x32: {  	s10 =	sld [smem:$0x3FA3];
	_ =	sdelay $0x3  }
0x33: {  	p0 =	seq.s32 s10, $0x1;
	s10 =	sld [smem:$0x3FA5];
	_ =	sdelay $0x3  }
0x34: {  	[smem:$0x3FA5] =	sst s10  }
0x35: {  	s10 =	sld [smem:$0x3FA4];
	_ =	sdelay $0x3  }
0x36: {  	p1 =	seq.s32 s10, $0x1;
	s10 =	sld [smem:$0x3FA5];
	_ =	sdelay $0x3  }
0x37: {  	[smem:$0x3FA5] =	sst s10  }
0x38: {  	s10 =	sld [smem:$0x3FA6]  }
0x39: {  	_ = 	snop;
	(pc) =	sbr.ind lr, $3  }
0x3a: {  	_ = 	snop  }
0x3b: {  	_ = 	snop  }
0x3c: {  	p2 =	seq.s32 s10, $0x1;
	s10 =	sld [smem:$0x3FA5]  }
0x3d: {  	_ =	shalt  }
0x3e: {  	_ =	shalt  }
0x3f: {  	_ =	shalt  }
0x40: {  	_ =	shalt  }
0x41: {  	_ =	shalt  }
0x42: {  	_ =	shalt  }
0x43: {  	_ =	shalt  }
0x44: {  	_ =	shalt  }
0x45: {  	_ =	shalt  }
0x46: {  	_ =	shalt  }
0x47: {  	_ =	shalt  }
0x48: {  	_ =	shalt  }
0x49: {  	_ =	shalt  }
0x4a: {  	_ =	shalt  }
0x4b: {  	_ =	shalt  }
0x4c: {  	_ =	shalt  }
0x4d: {  	_ =	shalt  }
0x4e: {  	_ =	shalt  }
0x4f: {  	_ =	shalt  }
0x50: {  	_ =	shalt  }
0x51: {  	_ =	shalt  }
0x52: {  	_ =	shalt  }
0x53: {  	_ =	shalt  }
0x54: {  	_ =	shalt  }
0x55: {  	_ =	shalt  }
0x56: {  	_ =	shalt  }
0x57: {  	_ =	shalt  }
0x58: {  	_ =	shalt  }
0x59: {  	_ =	shalt  }
0x5a: {  	_ =	shalt  }
0x5b: {  	_ =	shalt  }
0x5c: {  	_ =	shalt  }
0x5d: {  	_ =	shalt  }
0x5e: {  	_ =	shalt  }
0x5f: {  	_ =	shalt  }
0x60: {  	_ =	shalt  }
0x61: {  	_ =	shalt  }
0x62: {  	_ =	shalt  }
0x63: {  	_ =	shalt  }
0x64: {  	_ =	shalt  }
0x65: {  	_ =	shalt  }
0x66: {  	_ =	shalt  }
0x67: {  	_ =	shalt  }
0x68: {  	_ =	shalt  }
0x69: {  	_ =	shalt  }
0x6a: {  	_ =	shalt  }
0x6b: {  	_ =	shalt  }
0x6c: {  	_ =	shalt  }
0x6d: {  	_ =	shalt  }
0x6e: {  	_ =	shalt  }
0x6f: {  	_ =	shalt  }
0x70: {  	_ =	shalt  }
0x71: {  	_ =	shalt  }
0x72: {  	_ =	shalt  }
0x73: {  	_ =	shalt  }
0x74: {  	_ =	shalt  }
0x75: {  	_ =	shalt  }
0x76: {  	_ =	shalt  }
0x77: {  	_ =	shalt  }
0x78: {  	_ =	shalt  }
0x79: {  	_ =	shalt  }
0x7a: {  	_ =	shalt  }
0x7b: {  	_ =	shalt  }
0x7c: {  	_ =	shalt  }
0x7d: {  	_ =	shalt  }
0x7e: {  	_ =	shalt  }
0x7f: {  	_ =	shalt  }
0x80: {  	_ =	shalt  }
0x81: {  	_ =	shalt  }
0x82: {  	_ =	shalt  }
0x83: {  	_ =	shalt  }
0x84: {  	_ =	shalt  }
0x85: {  	_ =	shalt  }
0x86: {  	_ =	shalt  }
0x87: {  	_ =	shalt  }
.Lfunc_end0:
.L_simem_size_0:
called_computation.3_lowered:
.L_overlay_start_0:
0x88: {  	s2 =	sld [smem:$0x3FD9]  }
0x89: {  	s3 =	sld [smem:$0x3FFE];
	_ =	sdelay $0x1  }
0x8a: {  	s1 =	srdreg.scid  }
0x8b: {  	s0 =	sand.u32 $0x1, s1  }
0x8c: {  	s14 =	sshll.u32 s0, $0xA;
	s2 =	sadd.s32 s3, s2  }
0x8d: {  	s2 =	sadd.s32 s2, s14  }
0x8e: {  	[smem:$0x3FB1] =	sst s2  }
0x8f: {  	_ = 	snop  }
0x90: {  	s2 =	sld [smem:$0x3FD0];
	_ =	sdelay $0x2  }
0x91: {  	s15 =	simm.s32 $0xA;
	s4 =	simm.s32 $0x10  }
0x92: {  	[smem:s4], [sflag:s15] =	dma.local [hbm:s2], $0x1  }
0x93: {  	_ =	swait.eq [sflag:s15], $0x1  }
0x94: {  	[sflag:s15] =	ssyncset.done $0x0  }
0x95: {  	[sflag:s15] =	ssyncadd.s32 $0xFFFFFFFF  }
0x96: {  	s16 =	sld [smem:$0x12];
	(tm) =	ssettm $0x1  }
0x97: {  	s17 =	sld [smem:$0x3FFB];
	_ =	sdelay $0x3  }
0x98: {  	_ =	strace s17  }
0x99: {  	s3 =	sld [smem:$0x3FFC];
	_ =	sdelay $0x3  }
0x9a: {  	_ =	strace s3  }
0x9b: {  	s3 =	sld [smem:$0x3FFD];
	_ =	sdelay $0x3  }
0x9c: {  	_ =	strace s3  }
0x9d: {  	_ =	strace $0x8FFFFFFF  }
0x9e: {  	s18 =	sld [smem:$0x3FDB];
	_ =	sdelay $0x1  }
0x9f: {  	s19 =	simm.s32 $_scs_section_size  }
0xa0: {  	s5 =	simm.s32 $_size__tile_overlayer_lowered;
	s6 =	simm.s32 $_tile_overlayer_lowered  }
0xa1: {  	s22 =	simm.s32 $0x1BFF;
	s21 =	sshll.u32 s6, $0x1;
	s3 =	sadd.s32 s19, s18  }
0xa2: {  	s7 =	simm.s32 $0x0;
	s20 =	sshll.u32 s5, $0x1;
	s5 =	sadd.s32 s21, s3  }
0xa3: {  	[timem:s7], [sflag:s22] =	dma.local [hbm:s5], s20  }
0xa4: {  	_ =	swait.ge [sflag:s22], s20  }
0xa5: {  	s4 =	ssub.s32 $0x0, s20;
	[sflag:s22] =	ssyncset.done $0x0  }
0xa6: {  	[sflag:s22] =	ssyncadd.s32 s4;
	_ =	sdelay $0x1  }
0xa7: {  	s23 =	simm.s32 $0x1B8B  }
0xa8: {  	_ =	swait.ge [sflag:s23], $0x1  }
0xa9: {  	[sflag:s23] =	ssyncset.done $0x0  }
0xaa: {  	s25 =	simm.s32 $0x1B8E;
	s24 =	sld [smem:$0x3FFE];
	[sflag:s23] =	ssyncadd.s32 $0xFFFFFFFF  }
0xab: {  	s26 =	simm.s32 $execute0_lowered;
	[smem:$0x3FD2] =	sst s25  }
0xac: {  	s5 =	sshll.u32 s26, $0x1;
	_ =	strace $0x80000052;
	[dreg:$0x1] =	wrdreg $0xFFFFFFFF  }
0xad: {  	s28 =	simm.s32 $_size_execute0_lowered;
	s3 =	sadd.s32 s3, s5;
	[dreg:$0x0] =	wrdreg $0x0  }
0xae: {  	s5 =	sshll.u32 s28, $0x1;
	[dreg:$0x2] =	wrdreg s3  }
0xaf: {  	[dreg:$0x3] =	wrdreg s5  }
0xb0: {  	[dreg:$0x4] =	wrdreg $0xC0  }
0xb1: {  	_ =	task [dreg:s7], $0x5FFFF  }
0xb2: {  	[dreg:$0x1] =	wrdreg $0xFFFFFFFF  }
0xb3: {  	[dreg:$0x0] =	wrdreg $0x60  }
0xb4: {  	[dreg:$0x2] =	wrdreg s24  }
0xb5: {  	[dreg:$0x3] =	wrdreg s16  }
0xb6: {  	[dreg:$0x4] =	wrdreg $0x9  }
0xb7: {  	_ =	task.clear_ibuf [dreg:s7], $0x5FFFF;
	_ =	strace $0x90000052  }
0xb8: {  	s29 =	simm.s32 $0x9;
	_ =	strace $0x80000054  }
0xb9: {  	_ =	swait.ge [sflag:s29], $0x1  }
0xba: {  	[sflag:s29] =	ssyncadd.s32 $0xFFFFFFFF  }
0xbb: {  	_ =	strace $0x90000054  }
0xbc: {  	_ =	sfence  }
0xbd: {  	s30 =	sld [smem:$0x0];
	_ =	sdelay $0x2  }
0xbe: {  	s31 =	sshll.u32 s1, $0xD;
	s1 =	sshrl.u32 s1, $0x2  }
0xbf: {  	s3 =	sand.u32 $0x4000, s31;
	s1 =	sadd.s32 s1, s30  }
0xc0: {  	s0 =	sor.u32 s3, s0;
	s1 =	sshll.u32 s1, $0x11  }
0xc1: {  	s0 =	sor.u32 s1, s0  }
0xc2: {  	s0 =	sadd.s32 $0x8F2B, s0  }
0xc3: {  	[sflag:s0] =	ssyncadd.remote.s32 $0x1  }
0xc4: {  	_ =	sfence.sel $0xFFFF  }
0xc5: {  	[dreg:$0x0] =	wrdreg $0xFFFFFFFF;
	(pc) =	sbr.abs _section_cstart, $3  }
0xc6: {  	[dreg:$0x1] =	wrdreg $0xFFFFFFFF  }
0xc7: {  	_ =	task.clear_ibuf [dreg:s7], $0x2FFFF;
	_ =	strace $0x9FFFFFFF  }
0xc8: {  	(tm) =	ssettm $0x7FFFFFFF  }
0xc9: {  	_ =	shalt  }
tec
execute0_lowered:
.L_overlay_start_1:
0x0: {  	(tag) =	ssettag $0x1  }
0x1: {  	s2 =	rddreg [dreg:$0x0]  }
0x2: {  	s3 =	rddreg [dreg:$0x1]  }
0x3: {  	s0 =	rddreg [dreg:$0x2];
	s1 =	srdreg.scid;
	_ =	strace $0x80000053  }
0x4: {  	s4 =	simm.s32 $0x1;
	s9 =	simm.s32 $0x3;
	s5 =	sshll.u32 s1, $0x4  }
.Ltmp0:
0x5: {  	s1 =	stileid.u32;
	s5 =	sand.u32 $0x10, s5;
	(pc) =	sbr.rel .LBB2_1-.Ltmp0, $4  }
0x6: {  	s12 =	simm.s32 $0x0;
	s10 =	simm.s32 $0x0;
	s6 =	sor.u32 s1, s5  }
0x7: {  	[sflag:s4] =	ssyncpa.u1 $0x0;
	s5 =	simm.s32 $0x2;
	s6 =	sshll.u32 s6, $0x7  }
0x8: {  	s7 =	sadd.s32 $0x40800, s2;
	[sflag:s5] =	ssyncpa.u1 $0x0;
	s8 =	sadd.s32 $0x80, s6  }
0x9: {  	vm0 =	vmmov $0xff;
	vm1 =	vcmask $0x3F20;
	[sflag:s9] =	ssyncpa.u1 $0x0;
	s9 =	simm.s32 $0x80;
	s11 =	smov.u32 s6  }
.LBB2_9:
0xa: {  	p0 =	seq.s32 s10, $0x2  }
.Ltmp1:
0xb: {  	_ = 	snop;
	(pc) =	sbr.rel @p0 .LBB2_11-.Ltmp1, $1  }
0xc: {  	_ =	sdelay $0x3  }
.LBB2_10:
0xd: {  	s12 =	sadd.s32 $0x80, s11  }
0xe: {  	s13 =	smov.u32 s6;
	p0 =	slt.s32 s12, s8  }
0xf: {  	s13 =	smov.u32 @p0 s12  }
0x10: {  	s10 =	sadd.s32 $0x1, s10;
	s12 =	smov.u32 s11;
	s11 =	smov.u32 s13  }
.LBB2_1:
0x11: {  	p0 =	sne.s32 s10, $0x0  }
.Ltmp2:
0x12: {  	_ = 	snop;
	(pc) =	sbr.rel @!p0 .LBB2_2-.Ltmp2, $1  }
0x13: {  	_ =	sdelay $0x3  }
0x14: {  	s13 =	sand.u32 $0x1, s10  }
0x15: {  	p0 =	seq.s32 s13, $0x0  }
.Ltmp3:
0x16: {  	_ = 	snop;
	(pc) =	sbr.rel @p0 .LBB2_9-.Ltmp3, $1  }
0x17: {  	_ =	sdelay $0x3  }
0x18: {  	_ =	swait.ge [sflag:s5], $0x80  }
0x19: {  	[sflag:s5] =	ssyncset.done $0x0  }
0x1a: {  	s13 =	simm.s32 $0x0;
	[sflag:s5] =	ssyncadd.s32 $0xFFFFFF80  }
0x1b: {  	v0 =	vld.msk [tilespmem:s13+$0x80 ss:$0x1], $0xffff;
	_ =	sdelay $0x4  }
0x1c: {  	v1 =	vshll.u32 v0, $0x3  }
0x1d: {  	vm2 =	veq.s32 v0, $0x80000000;
	v0 =	vshll.u32 v0, $0x11;
	v1 =	vand.u32 $0x1FF80, v1  }
0x1e: {  	v0 =	vand.u32 $0x1E0000, v0;
	v1 =	vsel vm2, $0xFFFFFF80, v1  }
0x1f: {  	v0 =	vsel vm2, $0xFFFE0000, v0;
	v2 =	vand.u32 $0xFFFFFC00, v1  }
0x20: {  	v1 =	vand.u32 $0x380, v1;
	v0 =	vadd.s32 v0, v2  }
0x21: {  	v0 =	vor.u32 v1, v0  }
0x22: {  	v0 =	vshrl.u32 v0, $0x3;
	_ =	sdelay $0x3  }
0x23: {  	s13 =	simm.s32 $0x4100  }
0x24: {  	[tilespmem:s13], [sflag:$0x1] =	stream.indirect_vreg.gather [hbm:s7], $0x80, v0, vm0, $0x38;
	[tilespmem:$0x8100] =	vst v63  }
0x25: {  	s14 =	simm.s32 $0x4500;
	s31 =	simm.s32 $0x10  }
0x26: {  	[tilespmem:s14], [sflag:$0x1] =	stream.indirect_vreg.gather [hbm:s7], $0x80, v0, vm1, $0x38;
	[tilespmem:$0x8100] =	vst v63  }
0x27: {  	s14 =	simm.s32 $0x80;
	v0 =	vld.msk [tilespmem:s31+$0x80 ss:$0x1], $0xffff  }
.LBB2_5:
0x28: {  	p0 =	sne.s32 s14, $0x1C0;
	_ =	sdelay $0x4  }
0x29: {  	v1 =	vshll.u32 v0, $0x3  }
0x2a: {  	vm2 =	veq.s32 v0, $0x80000000;
	v0 =	vshll.u32 v0, $0x11;
	v1 =	vand.u32 $0x1FF80, v1  }
0x2b: {  	v0 =	vand.u32 $0x1E0000, v0;
	v1 =	vsel vm2, $0xFFFFFF80, v1  }
0x2c: {  	v0 =	vsel vm2, $0xFFFE0000, v0;
	v2 =	vand.u32 $0xFFFFFC00, v1  }
0x2d: {  	v1 =	vand.u32 $0x380, v1;
	v0 =	vadd.s32 v0, v2  }
0x2e: {  	v0 =	vor.u32 v1, v0  }
0x2f: {  	v0 =	vshrl.u32 v0, $0x3;
	_ =	sdelay $0x3  }
.Ltmp4:
0x30: {  	s13 =	sadd.s32 $0x800, s13;
	(pc) =	sbr.rel @p0 .LBB2_5-.Ltmp4, $4  }
0x31: {  	[tilespmem:s13], [sflag:$0x1] =	stream.indirect_vreg.gather [hbm:s7], $0x80, v0, vm0, $0x38;
	[tilespmem:$0x8100] =	vst v63  }
0x32: {  	s15 =	sshra.s32 s14, $0x2;
	s16 =	sadd.s32 $0x400, s13  }
0x33: {  	[tilespmem:s16], [sflag:$0x1] =	stream.indirect_vreg.gather [hbm:s7], $0x80, v0, vm1, $0x38;
	[tilespmem:$0x8100] =	vst v63  }
0x34: {  	s14 =	sadd.s32 $0x40, s14;
	v0 =	vld.msk [tilespmem:s15+$0x80 ss:$0x1], $0xffff  }
0x35: {  	_ =	sdelay $0x3  }
0x36: {  	v1 =	vshll.u32 v0, $0x3  }
0x37: {  	vm2 =	veq.s32 v0, $0x80000000;
	v63 =	vshll.u32 v0, $0x11;
	v1 =	vand.u32 $0x1FF80, v1  }
0x38: {  	v0 =	vand.u32 $0x1E0000, v63;
	v1 =	vsel vm2, $0xFFFFFF80, v1  }
0x39: {  	v0 =	vsel vm2, $0xFFFE0000, v0;
	v2 =	vand.u32 $0xFFFFFC00, v1  }
0x3a: {  	v1 =	vand.u32 $0x380, v1;
	v0 =	vadd.s32 v0, v2  }
0x3b: {  	v0 =	vor.u32 v1, v0  }
0x3c: {  	v0 =	vshrl.u32 v0, $0x3;
	_ =	sdelay $0x3  }
0x3d: {  	s13 =	sadd.s32 $0x800, s13  }
0x3e: {  	[tilespmem:s13], [sflag:$0x1] =	stream.indirect_vreg.gather [hbm:s7], $0x80, v0, vm0, $0x38;
	[tilespmem:$0x8100] =	vst v63  }
0x3f: {  	s13 =	sadd.s32 $0x400, s13  }
0x40: {  	[tilespmem:s13], [sflag:$0x1] =	stream.indirect_vreg.gather [hbm:s7], $0x80, v0, vm1, $0x38;
	[tilespmem:$0x8100] =	vst v63  }
0x41: {  	s12 =	sshll.u32 s12, $0x4;
	s14 =	simm.s32 $0x80;
	_ =	swait.ge [sflag:s4], $0x4000  }
0x42: {  	s15 =	simm.s32 $0x4500;
	s12 =	sadd.s32 s12, s2;
	[sflag:s4] =	ssyncset.done $0x0  }
0x43: {  	s16 =	sadd.s32 $0x0, s12;
	s13 =	simm.s32 $0x4100;
	[sflag:s4] =	ssyncadd.s32 $0xFFFFC000  }
.LBB2_7:
0x44: {  	[hbm:s16] =	stream.linear.scatter [tilespmem:s13], [sflag:$0x3], $0x400, $0x38;
	[tilespmem:$0x8100] =	vst v63  }
0x45: {  	s16 =	smov.u32 s14;
	s13 =	smov.u32 s15;
	p0 =	sne.s32 s14, $0x780  }
.Ltmp5:
0x46: {  	s14 =	sadd.s32 $0x80, s14;
	(pc) =	sbr.rel @p0 .LBB2_7-.Ltmp5, $2  }
0x47: {  	_ =	sdelay $0x2  }
0x48: {  	s15 =	sadd.s32 $0x400, s15;
	s16 =	sadd.s32 s16, s12  }
.Ltmp6:
0x49: {  	(pc) =	sbr.rel .LBB2_9-.Ltmp6, $2  }
0x4a: {  	_ =	sdelay $0x2  }
0x4b: {  	[hbm:s16] =	stream.linear.scatter [tilespmem:s13], [sflag:$0x3], $0x400, $0x38;
	[tilespmem:$0x8100] =	vst v63  }
.LBB2_2:
.Ltmp7:
0x4c: {  	(pc) =	sbr.rel .LBB2_10-.Ltmp7, $4  }
0x4d: {  	_ = 	snop  }
0x4e: {  	s12 =	sshrl.u32 s11, $0x3  }
0x4f: {  	s13 =	sand.u32 $0x7, s11;
	s12 =	sadd.s32 s3, s12  }
0x50: {  	[tilespmem:s9], [sflag:$0x2] =	stream.linear.gather [hbm4b:s12+s13], $0x80, $0x38;
	[tilespmem:$0x8100] =	vst v63  }
.LBB2_11:
0x51: {  	s2 =	simm.s32 $0x3  }
0x52: {  	_ =	swait.ge [sflag:s2], $0x4000  }
0x53: {  	[sflag:s2] =	ssyncset.done $0x0  }
0x54: {  	[sflag:s2] =	ssyncadd.s32 $0xFFFFC000  }
0x55: {  	_ =	sfence.sel $0x180000  }
0x56: {  	s3 =	simm.s32 $0x2;
	[bflag:$0x0] =	sbarrier.arrive $0xFFFF  }
0x57: {  	[sflag:s3] =	ssyncpa.u1 $0x1  }
0x58: {  	s31 =	simm.s32 $0x1;
	[sflag:s2] =	ssyncpa.u1 $0x1  }
0x59: {  	[sflag:s31] =	ssyncpa.u1 $0x1  }
0x5a: {  	p0 =	sne.s32 s1, $0x0;
	_ =	strace $0x90000053  }
0x5b: {  	s0 =	sadd.s32 @!p0 $0x100000, s0;
	[bflag:$0x2] =	sbarrier.arrive $0xFFFF  }
0x5c: {  	[sflag:s0] =	ssyncadd.tile.s32 @!p0 $0x1;
	_ =	shalt  }
.Lfunc_end2:
_tile_overlayer_lowered:
.L_overlay_start_2:
0x5d: {  	(tag) =	ssettag $0x2  }
0x5e: {  	s0 =	rddreg [dreg:$0x0];
	s2 =	stileid.u32  }
0x5f: {  	s1 =	rddreg [dreg:$0x1];
	p0 =	sne.s32 s2, $0x0  }
0x60: {  	s3 =	rddreg [dreg:$0x2];
	[bflag:$0x3] =	sbarrier.arrive $0xFFFF;
	s2 =	simm.s32 @!p0 $0x1C01  }
0x61: {  	[timem:s3], [sflag:s2] =	dma.local @!p0 [hbm:s0], s1  }
0x62: {  	s0 =	simm.s32 @!p0 $0x1  }
0x63: {  	_ =	swait.ge @!p0 [sflag:s0], s1  }
0x64: {  	s1 =	ssub.s32 @!p0 $0x0, s1;
	[sflag:s0] =	ssyncset.done @!p0 $0x0  }
0x65: {  	[sflag:s0] =	ssyncadd.s32 @!p0 s1  }
0x66: {  	[bflag:$0x3] =	sbarrier.arrive $0xFFFF  }
0x67: {  	_ =	shalt  }

// kernel: sparse-core-data-format-call.1.cloned.1.call-start
scs
called_computation.1_lowered:
.L_overlay_start_0:
0x0: {  	s1 =	sld [smem:$0x3FD9]  }
0x1: {  	s2 =	sld [smem:$0x3FFE];
	_ =	sdelay $0x1  }
0x2: {  	s3 =	srdreg.scid  }
0x3: {  	s0 =	sand.u32 $0x1, s3  }
0x4: {  	s17 =	sshll.u32 s0, $0xA;
	s1 =	sadd.s32 s2, s1  }
0x5: {  	s1 =	sadd.s32 s1, s17  }
0x6: {  	[smem:$0x3FB1] =	sst s1  }
0x7: {  	_ = 	snop  }
0x8: {  	(tm) =	ssettm $0x1  }
0x9: {  	s18 =	sld [smem:$0x3FFB];
	_ =	sdelay $0x3  }
0xa: {  	_ =	strace s18  }
0xb: {  	s1 =	sld [smem:$0x3FFC];
	_ =	sdelay $0x3  }
0xc: {  	_ =	strace s1  }
0xd: {  	s1 =	sld [smem:$0x3FFD];
	_ =	sdelay $0x3  }
0xe: {  	_ =	strace s1  }
0xf: {  	_ =	strace $0x8FFFFFFF  }
0x10: {  	s19 =	sld [smem:$0x3FDB];
	_ =	sdelay $0x1  }
0x11: {  	s20 =	simm.s32 $_scs_section_size  }
0x12: {  	s4 =	simm.s32 $_size__tile_overlayer_lowered;
	s5 =	simm.s32 $_tile_overlayer_lowered  }
0x13: {  	s23 =	simm.s32 $0x1BFF;
	s22 =	sshll.u32 s5, $0x1;
	s1 =	sadd.s32 s20, s19  }
0x14: {  	s6 =	simm.s32 $0x0;
	s21 =	sshll.u32 s4, $0x1;
	s4 =	sadd.s32 s22, s1  }
0x15: {  	[timem:s6], [sflag:s23] =	dma.local [hbm:s4], s21  }
0x16: {  	_ =	swait.ge [sflag:s23], s21  }
0x17: {  	s2 =	ssub.s32 $0x0, s21;
	[sflag:s23] =	ssyncset.done $0x0  }
0x18: {  	[sflag:s23] =	ssyncadd.s32 s2;
	_ =	sdelay $0x1  }
0x19: {  	s24 =	simm.s32 $0x1B8B  }
0x1a: {  	_ =	swait.ge [sflag:s24], $0x1  }
0x1b: {  	[sflag:s24] =	ssyncset.done $0x0  }
0x1c: {  	s26 =	simm.s32 $0x1B8E;
	s25 =	sld [smem:$0x3FFE];
	[sflag:s24] =	ssyncadd.s32 $0xFFFFFFFF  }
0x1d: {  	s27 =	simm.s32 $execute0_lowered;
	[smem:$0x3FD2] =	sst s26  }
0x1e: {  	s4 =	sshll.u32 s27, $0x1;
	_ =	strace $0x80000049;
	[dreg:$0x1] =	wrdreg $0xFFFFFFFF  }
0x1f: {  	s28 =	simm.s32 $_size_execute0_lowered;
	s1 =	sadd.s32 s1, s4;
	[dreg:$0x0] =	wrdreg $0x0  }
0x20: {  	s4 =	sshll.u32 s28, $0x1;
	[dreg:$0x2] =	wrdreg s1  }
0x21: {  	[dreg:$0x3] =	wrdreg s4  }
0x22: {  	[dreg:$0x4] =	wrdreg $0xC0  }
0x23: {  	_ =	task [dreg:s6], $0x5FFFF  }
0x24: {  	[dreg:$0x1] =	wrdreg $0xFFFFFFFF  }
0x25: {  	[dreg:$0x0] =	wrdreg $0x60  }
0x26: {  	[dreg:$0x2] =	wrdreg s25  }
0x27: {  	[dreg:$0x3] =	wrdreg $0x9  }
0x28: {  	_ =	task.clear_ibuf [dreg:s6], $0x4FFFF;
	_ =	strace $0x90000049  }
0x29: {  	s29 =	simm.s32 $0x9;
	_ =	strace $0x8000004B  }
0x2a: {  	_ =	swait.ge [sflag:s29], $0x1  }
0x2b: {  	[sflag:s29] =	ssyncadd.s32 $0xFFFFFFFF  }
0x2c: {  	_ =	strace $0x9000004B  }
0x2d: {  	_ =	sfence  }
0x2e: {  	s30 =	sld [smem:$0x0];
	_ =	sdelay $0x2  }
0x2f: {  	s31 =	sshll.u32 s3, $0xD;
	s3 =	sshrl.u32 s3, $0x2  }
0x30: {  	s2 =	sand.u32 $0x4000, s31;
	s1 =	sadd.s32 s3, s30  }
0x31: {  	s0 =	sor.u32 s2, s0;
	s1 =	sshll.u32 s1, $0x11  }
0x32: {  	s0 =	sor.u32 s1, s0  }
0x33: {  	s0 =	sadd.s32 $0x8F2B, s0  }
0x34: {  	[sflag:s0] =	ssyncadd.remote.s32 $0x1  }
0x35: {  	_ =	sfence.sel $0xFFFF  }
0x36: {  	[dreg:$0x0] =	wrdreg $0xFFFFFFFF;
	(pc) =	sbr.abs _section_cstart, $3  }
0x37: {  	[dreg:$0x1] =	wrdreg $0xFFFFFFFF  }
0x38: {  	_ =	task.clear_ibuf [dreg:s6], $0x2FFFF;
	_ =	strace $0x9FFFFFFF  }
0x39: {  	(tm) =	ssettm $0x7FFFFFFF  }
tec
execute0_lowered:
.L_overlay_start_1:
0x0: {  	(tag) =	ssettag $0x1  }
0x1: {  	s0 =	srdreg.scid;
	s3 =	rddreg [dreg:$0x0];
	s5 =	simm.s32 $0x1  }
0x2: {  	s7 =	simm.s32 $0x2;
	s15 =	simm.s32 $0x0;
	p0 =	por $0x0, $0x0  }
0x3: {  	s8 =	simm.s32 $0x2000;
	s13 =	simm.s32 $0x0;
	s1 =	sshll.u32 s0, $0x7  }
0x4: {  	s14 =	simm.s32 $0x0;
	s9 =	simm.s32 $0x0;
	s1 =	sand.u32 $0x80, s1  }
0x5: {  	s0 =	rddreg [dreg:$0x1];
	_ =	strace $0x8000004A;
	s6 =	ssub.s32 $0x400, s1  }
.Ltmp0:
0x6: {  	s2 =	sadd.s32 $0x260800, s3;
	s31 =	sshrl.u32 s6, $0x7;
	(pc) =	sbr.rel .LBB1_1-.Ltmp0, $4  }
0x7: {  	s4 =	sadd.s32 $0x460800, s3;
	s6 =	sshrl.u32 s6, $0x8;
	s3 =	sand.u32 $0x1, s31  }
0x8: {  	s11 =	stileid.u32;
	[sflag:s5] =	ssyncpa.u1 $0x0;
	s6 =	sadd.s32 s6, s3  }
0x9: {  	s12 =	simm.s32 $0x0;
	[sflag:s7] =	ssyncpa.u1 $0x0;
	s6 =	sshll.u32 s6, $0x3  }
0xa: {  	s10 =	smov.u32 s1;
	s3 =	stileid.u32;
	s7 =	sor.u32 $0x1, s6  }
.LBB1_4:
0xb: {  	v5 =	vld [tilespmem:s19+$0xFFFFFFD0];
	[tilespmem:s18+$0x2040 ss:$0x81] =	vst.msk $0xffff, v1  }
0xc: {  	v58 =	vld [tilespmem:s19+$0xFFFFFFE0];
	[tilespmem:s18+$0x2850 ss:$0x81] =	vst.msk $0xffff, v2  }
0xd: {  	s20 =	sshra.s32 s20, $0x2;
	v59 =	vld [tilespmem:s19+$0xFFFFFFF0];
	[tilespmem:s18+$0x3060 ss:$0x81] =	vst.msk $0xffff, v3  }
0xe: {  	v60 =	vld [tilespmem:s19+$0x0];
	[tilespmem:s18+$0x0 ss:$0x81] =	vst.msk $0xffff, v0;
	s17 =	sadd.s32 s20, s17  }
0xf: {  	v61 =	vld [tilespmem:s19+$0x10];
	[tilespmem:s17+$0x3870 ss:$0x81] =	vst.msk $0xffff, v4  }
0x10: {  	v62 =	vld [tilespmem:s19+$0x20];
	s26 =	sshll.u32 s15, $0xA;
	s27 =	sshll.u32 s13, $0x3;
	[tilespmem:s17+$0x810 ss:$0x81] =	vst.msk $0xffff, v5  }
0x11: {  	v63 =	vld [tilespmem:s19+$0xFFFFFFC0];
	s29 =	sshll.u32 s15, $0x7;
	s30 =	sand.u32 $0x78, s13;
	s14 =	sshll.u32 s14, $0x11;
	[tilespmem:s17+$0x1020 ss:$0x81] =	vst.msk $0xffff, v58  }
0x12: {  	s18 =	sand.u32 $0xFE000, s26;
	s28 =	sand.u32 $0xFFC00, s27;
	s15 =	sand.u32 $0x380, s29;
	[tilespmem:s17+$0x1830 ss:$0x81] =	vst.msk $0xffff, v59  }
0x13: {  	s31 =	sand.u32 $0x7, s13;
	s18 =	sadd.s32 s28, s18;
	s15 =	sor.u32 s30, s15;
	[tilespmem:s17+$0x2040 ss:$0x81] =	vst.msk $0xffff, v60  }
0x14: {  	s14 =	sadd.s32 s4, s14;
	s18 =	sshrl.u32 s18, $0x3;
	s15 =	sshrl.u32 s15, $0x3;
	[tilespmem:s17+$0x2850 ss:$0x81] =	vst.msk $0xffff, v61  }
0x15: {  	s13 =	sshll.u32 s31, $0x12;
	s18 =	sand.u32 $0x1FF80, s18;
	s14 =	sadd.s32 s15, s14;
	[tilespmem:s17+$0x3060 ss:$0x81] =	vst.msk $0xffff, v62  }
0x16: {  	s13 =	sor.u32 $0x400, s13;
	[tilespmem:s17+$0x0 ss:$0x81] =	vst.msk $0xffff, v63;
	s14 =	sadd.s32 s18, s14  }
0x17: {  	[hbm4b:s14+s13] =	stream.strided.scatter [tilespmem:s16], [sflag:$0x2], $0x4000, s8, s13, $0x20;
	[tilespmem:$0x10100] =	vst v63  }
.LBB1_5:
0x18: {  	s16 =	sadd.s32 $0x80, s9  }
0x19: {  	s13 =	sadd.s32 $0x100, s10;
	s17 =	smov.u32 s10;
	p2 =	sgt.s32 s16, $0x3FF  }
0x1a: {  	s17 =	smov.u32 @p2 s13  }
0x1b: {  	s19 =	smov.u32 s11;
	s13 =	sadd.s32 $0x10, s11;
	p3 =	sgt.s32 s17, $0x3FF  }
0x1c: {  	s19 =	smov.u32 @p3 s13  }
0x1d: {  	s16 =	simm.s32 @p2 $0x0;
	p2 =	sgt.s32 s19, $0xF  }
0x1e: {  	p1 =	slt.u32 s12, $0x2;
	s19 =	smov.u32 @p2 s3;
	p2 =	sne.s32 s12, s7  }
.Ltmp1:
0x1f: {  	s18 =	simm.s32 @!p1 $0x2;
	(pc) =	sbr.rel @!p2 .LBB1_6-.Ltmp1, $4  }
0x20: {  	s15 =	smov.u32 s9;
	s14 =	smov.u32 s11;
	_ =	swait.ge @!p1 [sflag:s18], $0x4000  }
0x21: {  	p0 =	por !p0, !p0;
	[sflag:s18] =	ssyncset.done @!p1 $0x0;
	s9 =	smov.u32 s16  }
0x22: {  	s17 =	smov.u32 @p3 s1;
	s13 =	smov.u32 s10;
	[sflag:s18] =	ssyncadd.s32 @!p1 $0xFFFFC000  }
0x23: {  	s10 =	smov.u32 s17;
	s12 =	sadd.s32 $0x1, s12;
	s11 =	smov.u32 s19  }
.LBB1_1:
0x24: {  	p1 =	sge.u32 s12, s6  }
0x25: {  	s31 =	sadd.s32 $0xFFFFFFFF, s12;
	s16 =	sshll.u32 @!p1 s10, $0x7  }
0x26: {  	s17 =	sxor.u32 @!p1 $0xFFFFFFFF, s12;
	s18 =	sand.u32 @!p1 $0x78, s9;
	s19 =	sand.u32 @!p1 $0x380, s16  }
0x27: {  	s17 =	sshll.u32 @!p1 s17, $0xE;
	s18 =	sor.u32 @!p1 s18, s19;
	s19 =	sshll.u32 @!p1 s11, $0x11  }
0x28: {  	s16 =	sand.u32 @!p1 $0x1FC00, s16;
	s18 =	sshrl.u32 @!p1 s18, $0x3;
	s19 =	sadd.s32 @!p1 s2, s19  }
0x29: {  	s16 =	sadd.s32 @!p1 s9, s16;
	s18 =	sadd.s32 @!p1 s18, s19;
	s19 =	sand.u32 @!p1 $0x7, s9  }
0x2a: {  	s17 =	sand.u32 @!p1 $0x4000, s17;
	s16 =	sand.u32 @!p1 $0x1FF80, s16;
	s19 =	sshll.u32 @!p1 s19, $0x12  }
0x2b: {  	s16 =	sadd.s32 @!p1 s16, s18;
	s18 =	sor.u32 @!p1 $0x400, s19;
	s19 =	simm.s32 @!p1 $0x2000  }
0x2c: {  	[tilespmem:s17], [sflag:$0x1] =	stream.strided.gather @!p1 [hbm4b:s16+s18], $0x4000, s19, s18, $0x38;
	[tilespmem:$0x10100] =	vst v63  }
0x2d: {  	p1 =	sge.u32 s31, s6  }
.Ltmp2:
0x2e: {  	_ = 	snop;
	(pc) =	sbr.rel @p1 .LBB1_5-.Ltmp2, $1  }
0x2f: {  	_ =	sdelay $0x3  }
0x30: {  	s16 =	simm.s32 $0x1  }
0x31: {  	_ =	swait.ge [sflag:s5], $0x4000;
	s16 =	simm.s32 @!p0 $0x0  }
0x32: {  	[sflag:s5] =	ssyncset.done $0x0;
	s17 =	sshll.u32 s16, $0xE  }
0x33: {  	[sflag:s5] =	ssyncadd.s32 $0xFFFFC000;
	s19 =	sor.u32 $0x40, s17  }
0x34: {  	s16 =	smul.u32 $0x10200, s16;
	v0 =	vld [tilespmem:s19+$0x30]  }
0x35: {  	v3 =	vld [tilespmem:s19+$0xFFFFFFD0]  }
0x36: {  	s16 =	sshrl.u32 s16, $0x2;
	v4 =	vld [tilespmem:s19+$0xFFFFFFE0]  }
0x37: {  	v5 =	vld [tilespmem:s19+$0xFFFFFFF0];
	s17 =	sor.u32 $0x8000, s16  }
0x38: {  	s31 =	sand.u32 $0x1, s12;
	v1 =	vld [tilespmem:s19+$0x0];
	s18 =	sadd.s32 $0x0, s17  }
0x39: {  	v2 =	vld [tilespmem:s19+$0x10];
	s16 =	smul.u32 $0x10200, s31;
	[tilespmem:s18+$0x3870 ss:$0x81] =	vst.msk $0xffff, v0  }
0x3a: {  	[tilespmem:s18+$0x810 ss:$0x81] =	vst.msk $0xffff, v3;
	v3 =	vld [tilespmem:s19+$0x20]  }
0x3b: {  	s16 =	sshrl.u32 s16, $0x2;
	v0 =	vld [tilespmem:s19+$0xFFFFFFC0];
	[tilespmem:s18+$0x1020 ss:$0x81] =	vst.msk $0xffff, v4;
	s19 =	sadd.s32 $0x80, s19  }
0x3c: {  	s20 =	simm.s32 $0x4;
	s21 =	simm.s32 $0x8;
	s16 =	sor.u32 $0x8000, s16;
	[tilespmem:s18+$0x1830 ss:$0x81] =	vst.msk $0xffff, v5;
	v4 =	vld [tilespmem:s19+$0x30]  }
.LBB1_3:
0x3d: {  	p1 =	sne.s32 s21, $0x1FC;
	v5 =	vld [tilespmem:s19+$0xFFFFFFD0];
	[tilespmem:s18+$0x2040 ss:$0x81] =	vst.msk $0xffff, v1  }
0x3e: {  	v6 =	vld [tilespmem:s19+$0xFFFFFFE0];
	[tilespmem:s18+$0x2850 ss:$0x81] =	vst.msk $0xffff, v2  }
0x3f: {  	s22 =	sshra.s32 s20, $0x2;
	s20 =	smov.u32 s21;
	v7 =	vld [tilespmem:s19+$0xFFFFFFF0];
	[tilespmem:s18+$0x3060 ss:$0x81] =	vst.msk $0xffff, v3  }
.Ltmp3:
0x40: {  	v1 =	vld [tilespmem:s19+$0x0];
	[tilespmem:s18+$0x0 ss:$0x81] =	vst.msk $0xffff, v0;
	s18 =	sadd.s32 s22, s17;
	(pc) =	sbr.rel @p1 .LBB1_3-.Ltmp3, $4  }
0x41: {  	v2 =	vld [tilespmem:s19+$0x10];
	[tilespmem:s18+$0x3870 ss:$0x81] =	vst.msk $0xffff, v4  }
0x42: {  	[tilespmem:s18+$0x810 ss:$0x81] =	vst.msk $0xffff, v5;
	v3 =	vld [tilespmem:s19+$0x20]  }
0x43: {  	v0 =	vld [tilespmem:s19+$0xFFFFFFC0];
	[tilespmem:s18+$0x1020 ss:$0x81] =	vst.msk $0xffff, v6;
	s19 =	sadd.s32 $0x80, s19  }
0x44: {  	s21 =	sadd.s32 $0x4, s21;
	v4 =	vld [tilespmem:s19+$0x30];
	[tilespmem:s18+$0x1830 ss:$0x81] =	vst.msk $0xffff, v7  }
.Ltmp4:
0x45: {  	_ = 	snop;
	(pc) =	sbr.rel .LBB1_4-.Ltmp4, $1  }
0x46: {  	_ =	sdelay $0x3  }
.LBB1_6:
0x47: {  	_ =	sfence.sel $0x180000  }
0x48: {  	s1 =	simm.s32 $0x1;
	[bflag:$0x0] =	sbarrier.arrive $0xFFFF  }
0x49: {  	s31 =	simm.s32 $0x2;
	[sflag:s1] =	ssyncpa.u1 $0x1  }
0x4a: {  	[sflag:s31] =	ssyncpa.u1 $0x1  }
0x4b: {  	p0 =	sne.s32 s3, $0x0;
	_ =	strace $0x9000004A  }
0x4c: {  	s0 =	sadd.s32 @!p0 $0x100000, s0;
	[bflag:$0x2] =	sbarrier.arrive $0xFFFF  }
0x4d: {  	[sflag:s0] =	ssyncadd.tile.s32 @!p0 $0x1;
	_ =	shalt  }
.Lfunc_end1:
_tile_overlayer_lowered:
.L_overlay_start_2:
0x4e: {  	(tag) =	ssettag $0x2  }
0x4f: {  	s0 =	rddreg [dreg:$0x0];
	s2 =	stileid.u32  }
0x50: {  	s1 =	rddreg [dreg:$0x1];
	p0 =	sne.s32 s2, $0x0  }
0x51: {  	s3 =	rddreg [dreg:$0x2];
	[bflag:$0x3] =	sbarrier.arrive $0xFFFF;
	s2 =	simm.s32 @!p0 $0x1C01  }
0x52: {  	[timem:s3], [sflag:s2] =	dma.local @!p0 [hbm:s0], s1  }
0x53: {  	s0 =	simm.s32 @!p0 $0x1  }
0x54: {  	_ =	swait.ge @!p0 [sflag:s0], s1  }
0x55: {  	s1 =	ssub.s32 @!p0 $0x0, s1;
	[sflag:s0] =	ssyncset.done @!p0 $0x0  }
0x56: {  	[sflag:s0] =	ssyncadd.s32 @!p0 s1  }
0x57: {  	[bflag:$0x3] =	sbarrier.arrive $0xFFFF  }
0x58: {  	_ =	shalt  }

// kernel: sparse-core-data-format-call.2.cloned.1.call-start
scs
called_computation.2_lowered:
.L_overlay_start_0:
0x0: {  	s1 =	sld [smem:$0x3FD9]  }
0x1: {  	s2 =	sld [smem:$0x3FFE];
	_ =	sdelay $0x1  }
0x2: {  	s3 =	srdreg.scid  }
0x3: {  	s0 =	sand.u32 $0x1, s3  }
0x4: {  	s17 =	sshll.u32 s0, $0xA;
	s1 =	sadd.s32 s2, s1  }
0x5: {  	s1 =	sadd.s32 s1, s17  }
0x6: {  	[smem:$0x3FB1] =	sst s1  }
0x7: {  	_ = 	snop  }
0x8: {  	(tm) =	ssettm $0x1  }
0x9: {  	s18 =	sld [smem:$0x3FFB];
	_ =	sdelay $0x3  }
0xa: {  	_ =	strace s18  }
0xb: {  	s1 =	sld [smem:$0x3FFC];
	_ =	sdelay $0x3  }
0xc: {  	_ =	strace s1  }
0xd: {  	s1 =	sld [smem:$0x3FFD];
	_ =	sdelay $0x3  }
0xe: {  	_ =	strace s1  }
0xf: {  	_ =	strace $0x8FFFFFFF  }
0x10: {  	s19 =	sld [smem:$0x3FDB];
	_ =	sdelay $0x1  }
0x11: {  	s20 =	simm.s32 $_scs_section_size  }
0x12: {  	s4 =	simm.s32 $_size__tile_overlayer_lowered;
	s5 =	simm.s32 $_tile_overlayer_lowered  }
0x13: {  	s23 =	simm.s32 $0x1BFF;
	s22 =	sshll.u32 s5, $0x1;
	s1 =	sadd.s32 s20, s19  }
0x14: {  	s6 =	simm.s32 $0x0;
	s21 =	sshll.u32 s4, $0x1;
	s4 =	sadd.s32 s22, s1  }
0x15: {  	[timem:s6], [sflag:s23] =	dma.local [hbm:s4], s21  }
0x16: {  	_ =	swait.ge [sflag:s23], s21  }
0x17: {  	s2 =	ssub.s32 $0x0, s21;
	[sflag:s23] =	ssyncset.done $0x0  }
0x18: {  	[sflag:s23] =	ssyncadd.s32 s2;
	_ =	sdelay $0x1  }
0x19: {  	s24 =	simm.s32 $0x1B8B  }
0x1a: {  	_ =	swait.ge [sflag:s24], $0x1  }
0x1b: {  	[sflag:s24] =	ssyncset.done $0x0  }
0x1c: {  	s26 =	simm.s32 $0x1B8E;
	s25 =	sld [smem:$0x3FFE];
	[sflag:s24] =	ssyncadd.s32 $0xFFFFFFFF  }
0x1d: {  	s27 =	simm.s32 $execute0_lowered;
	[smem:$0x3FD2] =	sst s26  }
0x1e: {  	s4 =	sshll.u32 s27, $0x1;
	_ =	strace $0x80000046;
	[dreg:$0x1] =	wrdreg $0xFFFFFFFF  }
0x1f: {  	s28 =	simm.s32 $_size_execute0_lowered;
	s1 =	sadd.s32 s1, s4;
	[dreg:$0x0] =	wrdreg $0x0  }
0x20: {  	s4 =	sshll.u32 s28, $0x1;
	[dreg:$0x2] =	wrdreg s1  }
0x21: {  	[dreg:$0x3] =	wrdreg s4  }
0x22: {  	[dreg:$0x4] =	wrdreg $0xC0  }
0x23: {  	_ =	task [dreg:s6], $0x5FFFF  }
0x24: {  	[dreg:$0x1] =	wrdreg $0xFFFFFFFF  }
0x25: {  	[dreg:$0x0] =	wrdreg $0x60  }
0x26: {  	[dreg:$0x2] =	wrdreg s25  }
0x27: {  	[dreg:$0x3] =	wrdreg $0x9  }
0x28: {  	_ =	task.clear_ibuf [dreg:s6], $0x4FFFF;
	_ =	strace $0x90000046  }
0x29: {  	s29 =	simm.s32 $0x9;
	_ =	strace $0x80000048  }
0x2a: {  	_ =	swait.ge [sflag:s29], $0x1  }
0x2b: {  	[sflag:s29] =	ssyncadd.s32 $0xFFFFFFFF  }
0x2c: {  	_ =	strace $0x90000048  }
0x2d: {  	_ =	sfence  }
0x2e: {  	s30 =	sld [smem:$0x0];
	_ =	sdelay $0x2  }
0x2f: {  	s31 =	sshll.u32 s3, $0xD;
	s3 =	sshrl.u32 s3, $0x2  }
0x30: {  	s2 =	sand.u32 $0x4000, s31;
	s1 =	sadd.s32 s3, s30  }
0x31: {  	s0 =	sor.u32 s2, s0;
	s1 =	sshll.u32 s1, $0x11  }
0x32: {  	s0 =	sor.u32 s1, s0  }
0x33: {  	s0 =	sadd.s32 $0x8F2B, s0  }
0x34: {  	[sflag:s0] =	ssyncadd.remote.s32 $0x1  }
0x35: {  	_ =	sfence.sel $0xFFFF  }
0x36: {  	[dreg:$0x0] =	wrdreg $0xFFFFFFFF;
	(pc) =	sbr.abs _section_cstart, $3  }
0x37: {  	[dreg:$0x1] =	wrdreg $0xFFFFFFFF  }
0x38: {  	_ =	task.clear_ibuf [dreg:s6], $0x2FFFF;
	_ =	strace $0x9FFFFFFF  }
0x39: {  	(tm) =	ssettm $0x7FFFFFFF  }
tec
execute0_lowered:
.L_overlay_start_1:
0x0: {  	(tag) =	ssettag $0x1  }
0x1: {  	s0 =	srdreg.scid;
	s3 =	rddreg [dreg:$0x0];
	s5 =	simm.s32 $0x1  }
0x2: {  	s7 =	simm.s32 $0x2;
	s15 =	simm.s32 $0x0;
	p0 =	por $0x0, $0x0  }
0x3: {  	s8 =	simm.s32 $0x2000;
	s13 =	simm.s32 $0x0;
	s1 =	sshll.u32 s0, $0x7  }
0x4: {  	s14 =	simm.s32 $0x0;
	s9 =	simm.s32 $0x0;
	s1 =	sand.u32 $0x80, s1  }
0x5: {  	s0 =	rddreg [dreg:$0x1];
	_ =	strace $0x80000047;
	s6 =	ssub.s32 $0x400, s1  }
.Ltmp0:
0x6: {  	s2 =	sadd.s32 $0x40800, s3;
	s31 =	sshrl.u32 s6, $0x7;
	(pc) =	sbr.rel .LBB1_1-.Ltmp0, $4  }
0x7: {  	s4 =	sadd.s32 $0x240800, s3;
	s6 =	sshrl.u32 s6, $0x8;
	s3 =	sand.u32 $0x1, s31  }
0x8: {  	s11 =	stileid.u32;
	[sflag:s5] =	ssyncpa.u1 $0x0;
	s6 =	sadd.s32 s6, s3  }
0x9: {  	s12 =	simm.s32 $0x0;
	[sflag:s7] =	ssyncpa.u1 $0x0;
	s6 =	sshll.u32 s6, $0x3  }
0xa: {  	s10 =	smov.u32 s1;
	s3 =	stileid.u32;
	s7 =	sor.u32 $0x1, s6  }
.LBB1_4:
0xb: {  	v5 =	vld [tilespmem:s19+$0xFFFFFFD0];
	[tilespmem:s18+$0x2040 ss:$0x81] =	vst.msk $0xffff, v1  }
0xc: {  	v58 =	vld [tilespmem:s19+$0xFFFFFFE0];
	[tilespmem:s18+$0x2850 ss:$0x81] =	vst.msk $0xffff, v2  }
0xd: {  	s20 =	sshra.s32 s20, $0x2;
	v59 =	vld [tilespmem:s19+$0xFFFFFFF0];
	[tilespmem:s18+$0x3060 ss:$0x81] =	vst.msk $0xffff, v3  }
0xe: {  	v60 =	vld [tilespmem:s19+$0x0];
	[tilespmem:s18+$0x0 ss:$0x81] =	vst.msk $0xffff, v0;
	s17 =	sadd.s32 s20, s17  }
0xf: {  	v61 =	vld [tilespmem:s19+$0x10];
	[tilespmem:s17+$0x3870 ss:$0x81] =	vst.msk $0xffff, v4  }
0x10: {  	v62 =	vld [tilespmem:s19+$0x20];
	s26 =	sshll.u32 s15, $0xA;
	s27 =	sshll.u32 s13, $0x3;
	[tilespmem:s17+$0x810 ss:$0x81] =	vst.msk $0xffff, v5  }
0x11: {  	v63 =	vld [tilespmem:s19+$0xFFFFFFC0];
	s29 =	sshll.u32 s15, $0x7;
	s30 =	sand.u32 $0x78, s13;
	s14 =	sshll.u32 s14, $0x11;
	[tilespmem:s17+$0x1020 ss:$0x81] =	vst.msk $0xffff, v58  }
0x12: {  	s18 =	sand.u32 $0xFE000, s26;
	s28 =	sand.u32 $0xFFC00, s27;
	s15 =	sand.u32 $0x380, s29;
	[tilespmem:s17+$0x1830 ss:$0x81] =	vst.msk $0xffff, v59  }
0x13: {  	s31 =	sand.u32 $0x7, s13;
	s18 =	sadd.s32 s28, s18;
	s15 =	sor.u32 s30, s15;
	[tilespmem:s17+$0x2040 ss:$0x81] =	vst.msk $0xffff, v60  }
0x14: {  	s14 =	sadd.s32 s4, s14;
	s18 =	sshrl.u32 s18, $0x3;
	s15 =	sshrl.u32 s15, $0x3;
	[tilespmem:s17+$0x2850 ss:$0x81] =	vst.msk $0xffff, v61  }
0x15: {  	s13 =	sshll.u32 s31, $0x12;
	s18 =	sand.u32 $0x1FF80, s18;
	s14 =	sadd.s32 s15, s14;
	[tilespmem:s17+$0x3060 ss:$0x81] =	vst.msk $0xffff, v62  }
0x16: {  	s13 =	sor.u32 $0x400, s13;
	[tilespmem:s17+$0x0 ss:$0x81] =	vst.msk $0xffff, v63;
	s14 =	sadd.s32 s18, s14  }
0x17: {  	[hbm4b:s14+s13] =	stream.strided.scatter [tilespmem:s16], [sflag:$0x2], $0x4000, s8, s13, $0x20;
	[tilespmem:$0x10100] =	vst v63  }
.LBB1_5:
0x18: {  	s16 =	sadd.s32 $0x80, s9  }
0x19: {  	s13 =	sadd.s32 $0x100, s10;
	s17 =	smov.u32 s10;
	p2 =	sgt.s32 s16, $0x3FF  }
0x1a: {  	s17 =	smov.u32 @p2 s13  }
0x1b: {  	s19 =	smov.u32 s11;
	s13 =	sadd.s32 $0x10, s11;
	p3 =	sgt.s32 s17, $0x3FF  }
0x1c: {  	s19 =	smov.u32 @p3 s13  }
0x1d: {  	s16 =	simm.s32 @p2 $0x0;
	p2 =	sgt.s32 s19, $0xF  }
0x1e: {  	p1 =	slt.u32 s12, $0x2;
	s19 =	smov.u32 @p2 s3;
	p2 =	sne.s32 s12, s7  }
.Ltmp1:
0x1f: {  	s18 =	simm.s32 @!p1 $0x2;
	(pc) =	sbr.rel @!p2 .LBB1_6-.Ltmp1, $4  }
0x20: {  	s15 =	smov.u32 s9;
	s14 =	smov.u32 s11;
	_ =	swait.ge @!p1 [sflag:s18], $0x4000  }
0x21: {  	p0 =	por !p0, !p0;
	[sflag:s18] =	ssyncset.done @!p1 $0x0;
	s9 =	smov.u32 s16  }
0x22: {  	s17 =	smov.u32 @p3 s1;
	s13 =	smov.u32 s10;
	[sflag:s18] =	ssyncadd.s32 @!p1 $0xFFFFC000  }
0x23: {  	s10 =	smov.u32 s17;
	s12 =	sadd.s32 $0x1, s12;
	s11 =	smov.u32 s19  }
.LBB1_1:
0x24: {  	p1 =	sge.u32 s12, s6  }
0x25: {  	s31 =	sadd.s32 $0xFFFFFFFF, s12;
	s16 =	sshll.u32 @!p1 s10, $0x7  }
0x26: {  	s17 =	sxor.u32 @!p1 $0xFFFFFFFF, s12;
	s18 =	sand.u32 @!p1 $0x78, s9;
	s19 =	sand.u32 @!p1 $0x380, s16  }
0x27: {  	s17 =	sshll.u32 @!p1 s17, $0xE;
	s18 =	sor.u32 @!p1 s18, s19;
	s19 =	sshll.u32 @!p1 s11, $0x11  }
0x28: {  	s16 =	sand.u32 @!p1 $0x1FC00, s16;
	s18 =	sshrl.u32 @!p1 s18, $0x3;
	s19 =	sadd.s32 @!p1 s2, s19  }
0x29: {  	s16 =	sadd.s32 @!p1 s9, s16;
	s18 =	sadd.s32 @!p1 s18, s19;
	s19 =	sand.u32 @!p1 $0x7, s9  }
0x2a: {  	s17 =	sand.u32 @!p1 $0x4000, s17;
	s16 =	sand.u32 @!p1 $0x1FF80, s16;
	s19 =	sshll.u32 @!p1 s19, $0x12  }
0x2b: {  	s16 =	sadd.s32 @!p1 s16, s18;
	s18 =	sor.u32 @!p1 $0x400, s19;
	s19 =	simm.s32 @!p1 $0x2000  }
0x2c: {  	[tilespmem:s17], [sflag:$0x1] =	stream.strided.gather @!p1 [hbm4b:s16+s18], $0x4000, s19, s18, $0x38;
	[tilespmem:$0x10100] =	vst v63  }
0x2d: {  	p1 =	sge.u32 s31, s6  }
.Ltmp2:
0x2e: {  	_ = 	snop;
	(pc) =	sbr.rel @p1 .LBB1_5-.Ltmp2, $1  }
0x2f: {  	_ =	sdelay $0x3  }
0x30: {  	s16 =	simm.s32 $0x1  }
0x31: {  	_ =	swait.ge [sflag:s5], $0x4000;
	s16 =	simm.s32 @!p0 $0x0  }
0x32: {  	[sflag:s5] =	ssyncset.done $0x0;
	s17 =	sshll.u32 s16, $0xE  }
0x33: {  	[sflag:s5] =	ssyncadd.s32 $0xFFFFC000;
	s19 =	sor.u32 $0x40, s17  }
0x34: {  	s16 =	smul.u32 $0x10200, s16;
	v0 =	vld [tilespmem:s19+$0x30]  }
0x35: {  	v3 =	vld [tilespmem:s19+$0xFFFFFFD0]  }
0x36: {  	s16 =	sshrl.u32 s16, $0x2;
	v4 =	vld [tilespmem:s19+$0xFFFFFFE0]  }
0x37: {  	v5 =	vld [tilespmem:s19+$0xFFFFFFF0];
	s17 =	sor.u32 $0x8000, s16  }
0x38: {  	s31 =	sand.u32 $0x1, s12;
	v1 =	vld [tilespmem:s19+$0x0];
	s18 =	sadd.s32 $0x0, s17  }
0x39: {  	v2 =	vld [tilespmem:s19+$0x10];
	s16 =	smul.u32 $0x10200, s31;
	[tilespmem:s18+$0x3870 ss:$0x81] =	vst.msk $0xffff, v0  }
0x3a: {  	[tilespmem:s18+$0x810 ss:$0x81] =	vst.msk $0xffff, v3;
	v3 =	vld [tilespmem:s19+$0x20]  }
0x3b: {  	s16 =	sshrl.u32 s16, $0x2;
	v0 =	vld [tilespmem:s19+$0xFFFFFFC0];
	[tilespmem:s18+$0x1020 ss:$0x81] =	vst.msk $0xffff, v4;
	s19 =	sadd.s32 $0x80, s19  }
0x3c: {  	s20 =	simm.s32 $0x4;
	s21 =	simm.s32 $0x8;
	s16 =	sor.u32 $0x8000, s16;
	[tilespmem:s18+$0x1830 ss:$0x81] =	vst.msk $0xffff, v5;
	v4 =	vld [tilespmem:s19+$0x30]  }
.LBB1_3:
0x3d: {  	p1 =	sne.s32 s21, $0x1FC;
	v5 =	vld [tilespmem:s19+$0xFFFFFFD0];
	[tilespmem:s18+$0x2040 ss:$0x81] =	vst.msk $0xffff, v1  }
0x3e: {  	v6 =	vld [tilespmem:s19+$0xFFFFFFE0];
	[tilespmem:s18+$0x2850 ss:$0x81] =	vst.msk $0xffff, v2  }
0x3f: {  	s22 =	sshra.s32 s20, $0x2;
	s20 =	smov.u32 s21;
	v7 =	vld [tilespmem:s19+$0xFFFFFFF0];
	[tilespmem:s18+$0x3060 ss:$0x81] =	vst.msk $0xffff, v3  }
.Ltmp3:
0x40: {  	v1 =	vld [tilespmem:s19+$0x0];
	[tilespmem:s18+$0x0 ss:$0x81] =	vst.msk $0xffff, v0;
	s18 =	sadd.s32 s22, s17;
	(pc) =	sbr.rel @p1 .LBB1_3-.Ltmp3, $4  }
0x41: {  	v2 =	vld [tilespmem:s19+$0x10];
	[tilespmem:s18+$0x3870 ss:$0x81] =	vst.msk $0xffff, v4  }
0x42: {  	[tilespmem:s18+$0x810 ss:$0x81] =	vst.msk $0xffff, v5;
	v3 =	vld [tilespmem:s19+$0x20]  }
0x43: {  	v0 =	vld [tilespmem:s19+$0xFFFFFFC0];
	[tilespmem:s18+$0x1020 ss:$0x81] =	vst.msk $0xffff, v6;
	s19 =	sadd.s32 $0x80, s19  }
0x44: {  	s21 =	sadd.s32 $0x4, s21;
	v4 =	vld [tilespmem:s19+$0x30];
	[tilespmem:s18+$0x1830 ss:$0x81] =	vst.msk $0xffff, v7  }
.Ltmp4:
0x45: {  	_ = 	snop;
	(pc) =	sbr.rel .LBB1_4-.Ltmp4, $1  }
0x46: {  	_ =	sdelay $0x3  }
.LBB1_6:
0x47: {  	_ =	sfence.sel $0x180000  }
0x48: {  	s1 =	simm.s32 $0x1;
	[bflag:$0x0] =	sbarrier.arrive $0xFFFF  }
0x49: {  	s31 =	simm.s32 $0x2;
	[sflag:s1] =	ssyncpa.u1 $0x1  }
0x4a: {  	[sflag:s31] =	ssyncpa.u1 $0x1  }
0x4b: {  	p0 =	sne.s32 s3, $0x0;
	_ =	strace $0x90000047  }
0x4c: {  	s0 =	sadd.s32 @!p0 $0x100000, s0;
	[bflag:$0x2] =	sbarrier.arrive $0xFFFF  }
0x4d: {  	[sflag:s0] =	ssyncadd.tile.s32 @!p0 $0x1;
	_ =	shalt  }
.Lfunc_end1:
_tile_overlayer_lowered:
.L_overlay_start_2:
0x4e: {  	(tag) =	ssettag $0x2  }
0x4f: {  	s0 =	rddreg [dreg:$0x0];
	s2 =	stileid.u32  }
0x50: {  	s1 =	rddreg [dreg:$0x1];
	p0 =	sne.s32 s2, $0x0  }
0x51: {  	s3 =	rddreg [dreg:$0x2];
	[bflag:$0x3] =	sbarrier.arrive $0xFFFF;
	s2 =	simm.s32 @!p0 $0x1C01  }
0x52: {  	[timem:s3], [sflag:s2] =	dma.local @!p0 [hbm:s0], s1  }
0x53: {  	s0 =	simm.s32 @!p0 $0x1  }
0x54: {  	_ =	swait.ge @!p0 [sflag:s0], s1  }
0x55: {  	s1 =	ssub.s32 @!p0 $0x0, s1;
	[sflag:s0] =	ssyncset.done @!p0 $0x0  }
0x56: {  	[sflag:s0] =	ssyncadd.s32 @!p0 s1  }
0x57: {  	[bflag:$0x3] =	sbarrier.arrive $0xFFFF  }
0x58: {  	_ =	shalt  }

// kernel: sparse-core-data-format-call.cloned.1.call-start
scs
called_computation_lowered:
.L_overlay_start_0:
0x0: {  	s1 =	sld [smem:$0x3FD9]  }
0x1: {  	s2 =	sld [smem:$0x3FFE];
	_ =	sdelay $0x1  }
0x2: {  	s3 =	srdreg.scid  }
0x3: {  	s0 =	sand.u32 $0x1, s3  }
0x4: {  	s17 =	sshll.u32 s0, $0xA;
	s1 =	sadd.s32 s2, s1  }
0x5: {  	s1 =	sadd.s32 s1, s17  }
0x6: {  	[smem:$0x3FB1] =	sst s1  }
0x7: {  	_ = 	snop  }
0x8: {  	(tm) =	ssettm $0x1  }
0x9: {  	s18 =	sld [smem:$0x3FFB];
	_ =	sdelay $0x3  }
0xa: {  	_ =	strace s18  }
0xb: {  	s1 =	sld [smem:$0x3FFC];
	_ =	sdelay $0x3  }
0xc: {  	_ =	strace s1  }
0xd: {  	s1 =	sld [smem:$0x3FFD];
	_ =	sdelay $0x3  }
0xe: {  	_ =	strace s1  }
0xf: {  	_ =	strace $0x8FFFFFFF  }
0x10: {  	s19 =	sld [smem:$0x3FDB];
	_ =	sdelay $0x1  }
0x11: {  	s20 =	simm.s32 $_scs_section_size  }
0x12: {  	s4 =	simm.s32 $_size__tile_overlayer_lowered;
	s5 =	simm.s32 $_tile_overlayer_lowered  }
0x13: {  	s23 =	simm.s32 $0x1BFF;
	s22 =	sshll.u32 s5, $0x1;
	s1 =	sadd.s32 s20, s19  }
0x14: {  	s6 =	simm.s32 $0x0;
	s21 =	sshll.u32 s4, $0x1;
	s4 =	sadd.s32 s22, s1  }
0x15: {  	[timem:s6], [sflag:s23] =	dma.local [hbm:s4], s21  }
0x16: {  	_ =	swait.ge [sflag:s23], s21  }
0x17: {  	s2 =	ssub.s32 $0x0, s21;
	[sflag:s23] =	ssyncset.done $0x0  }
0x18: {  	[sflag:s23] =	ssyncadd.s32 s2;
	_ =	sdelay $0x1  }
0x19: {  	s24 =	simm.s32 $0x1B8B  }
0x1a: {  	_ =	swait.ge [sflag:s24], $0x1  }
0x1b: {  	[sflag:s24] =	ssyncset.done $0x0  }
0x1c: {  	s26 =	simm.s32 $0x1B8E;
	s25 =	sld [smem:$0x3FFE];
	[sflag:s24] =	ssyncadd.s32 $0xFFFFFFFF  }
0x1d: {  	s27 =	simm.s32 $execute0_lowered;
	[smem:$0x3FD2] =	sst s26  }
0x1e: {  	s4 =	sshll.u32 s27, $0x1;
	_ =	strace $0x8000004C;
	[dreg:$0x1] =	wrdreg $0xFFFFFFFF  }
0x1f: {  	s28 =	simm.s32 $_size_execute0_lowered;
	s1 =	sadd.s32 s1, s4;
	[dreg:$0x0] =	wrdreg $0x0  }
0x20: {  	s4 =	sshll.u32 s28, $0x1;
	[dreg:$0x2] =	wrdreg s1  }
0x21: {  	[dreg:$0x3] =	wrdreg s4  }
0x22: {  	[dreg:$0x4] =	wrdreg $0xC0  }
0x23: {  	_ =	task [dreg:s6], $0x5FFFF  }
0x24: {  	[dreg:$0x1] =	wrdreg $0xFFFFFFFF  }
0x25: {  	[dreg:$0x0] =	wrdreg $0x60  }
0x26: {  	[dreg:$0x2] =	wrdreg s25  }
0x27: {  	[dreg:$0x3] =	wrdreg $0x9  }
0x28: {  	_ =	task.clear_ibuf [dreg:s6], $0x4FFFF;
	_ =	strace $0x9000004C  }
0x29: {  	s29 =	simm.s32 $0x9;
	_ =	strace $0x8000004E  }
0x2a: {  	_ =	swait.ge [sflag:s29], $0x1  }
0x2b: {  	[sflag:s29] =	ssyncadd.s32 $0xFFFFFFFF  }
0x2c: {  	_ =	strace $0x9000004E  }
0x2d: {  	_ =	sfence  }
0x2e: {  	s30 =	sld [smem:$0x0];
	_ =	sdelay $0x2  }
0x2f: {  	s31 =	sshll.u32 s3, $0xD;
	s3 =	sshrl.u32 s3, $0x2  }
0x30: {  	s2 =	sand.u32 $0x4000, s31;
	s1 =	sadd.s32 s3, s30  }
0x31: {  	s0 =	sor.u32 s2, s0;
	s1 =	sshll.u32 s1, $0x11  }
0x32: {  	s0 =	sor.u32 s1, s0  }
0x33: {  	s0 =	sadd.s32 $0x8F2B, s0  }
0x34: {  	[sflag:s0] =	ssyncadd.remote.s32 $0x1  }
0x35: {  	_ =	sfence.sel $0xFFFF  }
0x36: {  	[dreg:$0x0] =	wrdreg $0xFFFFFFFF;
	(pc) =	sbr.abs _section_cstart, $3  }
0x37: {  	[dreg:$0x1] =	wrdreg $0xFFFFFFFF  }
0x38: {  	_ =	task.clear_ibuf [dreg:s6], $0x2FFFF;
	_ =	strace $0x9FFFFFFF  }
0x39: {  	(tm) =	ssettm $0x7FFFFFFF  }
tec
execute0_lowered:
.L_overlay_start_1:
0x0: {  	(tag) =	ssettag $0x1  }
0x1: {  	s0 =	srdreg.scid;
	s3 =	rddreg [dreg:$0x0];
	s5 =	simm.s32 $0x1  }
0x2: {  	s7 =	simm.s32 $0x2;
	s14 =	simm.s32 $0x0;
	p0 =	por $0x0, $0x0  }
0x3: {  	s8 =	simm.s32 $0x2000;
	s13 =	simm.s32 $0x0;
	s1 =	sshll.u32 s0, $0x7  }
0x4: {  	s15 =	simm.s32 $0x0;
	s9 =	simm.s32 $0x0;
	s1 =	sand.u32 $0x80, s1  }
0x5: {  	s0 =	rddreg [dreg:$0x1];
	_ =	strace $0x8000004D;
	s6 =	ssub.s32 $0x400, s1  }
.Ltmp0:
0x6: {  	s2 =	sadd.s32 $0x260800, s3;
	s31 =	sshrl.u32 s6, $0x7;
	(pc) =	sbr.rel .LBB1_1-.Ltmp0, $4  }
0x7: {  	s4 =	sadd.s32 $0xA60800, s3;
	s6 =	sshrl.u32 s6, $0x8;
	s3 =	sand.u32 $0x1, s31  }
0x8: {  	s11 =	stileid.u32;
	[sflag:s5] =	ssyncpa.u1 $0x0;
	s6 =	sadd.s32 s6, s3  }
0x9: {  	s12 =	simm.s32 $0x0;
	[sflag:s7] =	ssyncpa.u1 $0x0;
	s6 =	sshll.u32 s6, $0x5  }
0xa: {  	s10 =	smov.u32 s1;
	s3 =	stileid.u32;
	s7 =	sor.u32 $0x1, s6  }
.LBB1_4:
0xb: {  	s15 =	sshll.u32 s15, $0x12  }
0xc: {  	s18 =	sand.u32 $0x1F80, s13;
	s14 =	sshll.u32 s14, $0xD;
	s15 =	sadd.s32 s4, s15  }
0xd: {  	[tilespmem:s17+$0x810 ss:$0x81] =	vst.msk $0xffff, v2;
	s19 =	sshrl.u32 s13, $0x3;
	s30 =	sand.u32 $0x7, s13;
	s15 =	sadd.s32 s18, s15  }
0xe: {  	[tilespmem:s17+$0x1020 ss:$0x81] =	vst.msk $0xffff, v0;
	s31 =	sand.u32 $0xF, s19;
	s13 =	sshll.u32 s30, $0x12;
	s14 =	sadd.s32 s14, s15  }
0xf: {  	[tilespmem:s17+$0x0 ss:$0x81] =	vst.msk $0xffff, v1;
	s13 =	sor.u32 $0x400, s13;
	s14 =	sadd.s32 s31, s14  }
0x10: {  	[hbm4b:s14+s13] =	stream.strided.scatter [tilespmem:s16], [sflag:$0x2], $0x2000, s8, s13, $0x20;
	[tilespmem:$0x8080] =	vst v63  }
.LBB1_5:
0x11: {  	s16 =	sadd.s32 $0x1, s9  }
0x12: {  	s13 =	sadd.s32 $0x100, s10;
	s17 =	smov.u32 s10;
	p2 =	sgt.s32 s16, $0x1F  }
0x13: {  	s17 =	smov.u32 @p2 s13  }
0x14: {  	s19 =	smov.u32 s11;
	s13 =	sadd.s32 $0x10, s11;
	p3 =	sgt.s32 s17, $0x3FF  }
0x15: {  	s19 =	smov.u32 @p3 s13  }
0x16: {  	s16 =	simm.s32 @p2 $0x0;
	p2 =	sgt.s32 s19, $0xF  }
0x17: {  	p1 =	slt.u32 s12, $0x2;
	s19 =	smov.u32 @p2 s3;
	p2 =	sne.s32 s12, s7  }
.Ltmp1:
0x18: {  	s18 =	simm.s32 @!p1 $0x2;
	(pc) =	sbr.rel @!p2 .LBB1_6-.Ltmp1, $4  }
0x19: {  	s14 =	smov.u32 s9;
	s15 =	smov.u32 s11;
	_ =	swait.ge @!p1 [sflag:s18], $0x2000  }
0x1a: {  	p0 =	por !p0, !p0;
	[sflag:s18] =	ssyncset.done @!p1 $0x0;
	s9 =	smov.u32 s16  }
0x1b: {  	s17 =	smov.u32 @p3 s1;
	s13 =	smov.u32 s10;
	[sflag:s18] =	ssyncadd.s32 @!p1 $0xFFFFE000  }
0x1c: {  	s10 =	smov.u32 s17;
	s12 =	sadd.s32 $0x1, s12;
	s11 =	smov.u32 s19  }
.LBB1_1:
0x1d: {  	p1 =	sge.u32 s12, s6;
	s31 =	sadd.s32 $0xFFFFFFFF, s12  }
0x1e: {  	s16 =	sxor.u32 @!p1 $0xFFFFFFFF, s12;
	s17 =	sshll.u32 @!p1 s11, $0x13;
	s18 =	sshll.u32 @!p1 s10, $0x9  }
0x1f: {  	s19 =	sshll.u32 @!p1 s9, $0x4;
	s16 =	sshll.u32 @!p1 s16, $0xD;
	s17 =	sadd.s32 @!p1 s2, s17  }
0x20: {  	s19 =	sand.u32 @!p1 $0x1F0, s19;
	s16 =	sand.u32 @!p1 $0x2000, s16;
	s17 =	sadd.s32 @!p1 s18, s17  }
0x21: {  	s18 =	simm.s32 @!p1 $0x40;
	s17 =	sadd.s32 @!p1 s19, s17;
	s19 =	simm.s32 @!p1 $0x1000  }
0x22: {  	[tilespmem:s16], [sflag:$0x1] =	stream.strided.gather @!p1 [hbm4b:s17+s18], $0x2000, s19, s18, $0x38;
	[tilespmem:$0x8080] =	vst v63  }
0x23: {  	p1 =	sge.u32 s31, s6  }
.Ltmp2:
0x24: {  	_ = 	snop;
	(pc) =	sbr.rel @p1 .LBB1_5-.Ltmp2, $1  }
0x25: {  	_ =	sdelay $0x3  }
0x26: {  	s16 =	simm.s32 $0x1  }
0x27: {  	_ =	swait.ge [sflag:s5], $0x2000;
	s16 =	simm.s32 @!p0 $0x0  }
0x28: {  	[sflag:s5] =	ssyncset.done $0x0;
	s17 =	sshll.u32 s16, $0xD  }
0x29: {  	[sflag:s5] =	ssyncadd.s32 $0xFFFFE000;
	s20 =	sor.u32 $0x20, s17  }
0x2a: {  	s16 =	smul.u32 $0x8100, s16;
	v3 =	vld [tilespmem:s20+$0x10]  }
0x2b: {  	s30 =	sand.u32 $0x1, s12;
	v2 =	vld [tilespmem:s20+$0xFFFFFFF0]  }
0x2c: {  	s17 =	smul.u32 $0x8100, s30;
	s16 =	sshrl.u32 s16, $0x2;
	v0 =	vld [tilespmem:s20+$0x0]  }
0x2d: {  	v1 =	vld [tilespmem:s20+$0xFFFFFFE0];
	s18 =	sor.u32 $0x4000, s16  }
0x2e: {  	s31 =	sshrl.u32 s17, $0x2;
	s17 =	sadd.s32 $0x0, s18  }
0x2f: {  	s19 =	simm.s32 $0x4;
	s20 =	sadd.s32 $0x40, s20;
	s16 =	sor.u32 $0x4000, s31;
	[tilespmem:s17+$0x1830 ss:$0x81] =	vst.msk $0xffff, v3  }
.LBB1_3:
0x30: {  	v3 =	vld [tilespmem:s20+$0x10];
	p1 =	sne.s32 s19, $0x1FC;
	[tilespmem:s17+$0x810 ss:$0x81] =	vst.msk $0xffff, v2;
	s21 =	smov.u32 s19;
	s19 =	sadd.s32 $0x4, s19  }
.Ltmp3:
0x31: {  	v2 =	vld [tilespmem:s20+$0xFFFFFFF0];
	[tilespmem:s17+$0x1020 ss:$0x81] =	vst.msk $0xffff, v0;
	(pc) =	sbr.rel @p1 .LBB1_3-.Ltmp3, $4  }
0x32: {  	v0 =	vld [tilespmem:s20+$0x0];
	[tilespmem:s17+$0x0 ss:$0x81] =	vst.msk $0xffff, v1  }
0x33: {  	s17 =	sshra.s32 s21, $0x2;
	v1 =	vld [tilespmem:s20+$0xFFFFFFE0]  }
0x34: {  	s17 =	sadd.s32 s17, s18  }
0x35: {  	s20 =	sadd.s32 $0x40, s20;
	[tilespmem:s17+$0x1830 ss:$0x81] =	vst.msk $0xffff, v3  }
.Ltmp4:
0x36: {  	_ = 	snop;
	(pc) =	sbr.rel .LBB1_4-.Ltmp4, $1  }
0x37: {  	_ =	sdelay $0x3  }
.LBB1_6:
0x38: {  	_ =	sfence.sel $0x180000  }
0x39: {  	s1 =	simm.s32 $0x1;
	[bflag:$0x0] =	sbarrier.arrive $0xFFFF  }
0x3a: {  	s31 =	simm.s32 $0x2;
	[sflag:s1] =	ssyncpa.u1 $0x1  }
0x3b: {  	[sflag:s31] =	ssyncpa.u1 $0x1  }
0x3c: {  	p0 =	sne.s32 s3, $0x0;
	_ =	strace $0x9000004D  }
0x3d: {  	s0 =	sadd.s32 @!p0 $0x100000, s0;
	[bflag:$0x2] =	sbarrier.arrive $0xFFFF  }
0x3e: {  	[sflag:s0] =	ssyncadd.tile.s32 @!p0 $0x1;
	_ =	shalt  }
.Lfunc_end1:
_tile_overlayer_lowered:
.L_overlay_start_2:
0x3f: {  	(tag) =	ssettag $0x2  }
0x40: {  	s0 =	rddreg [dreg:$0x0];
	s2 =	stileid.u32  }
0x41: {  	s1 =	rddreg [dreg:$0x1];
	p0 =	sne.s32 s2, $0x0  }
0x42: {  	s3 =	rddreg [dreg:$0x2];
	[bflag:$0x3] =	sbarrier.arrive $0xFFFF;
	s2 =	simm.s32 @!p0 $0x1C01  }
0x43: {  	[timem:s3], [sflag:s2] =	dma.local @!p0 [hbm:s0], s1  }
0x44: {  	s0 =	simm.s32 @!p0 $0x1  }
0x45: {  	_ =	swait.ge @!p0 [sflag:s0], s1  }
0x46: {  	s1 =	ssub.s32 @!p0 $0x0, s1;
	[sflag:s0] =	ssyncset.done @!p0 $0x0  }
0x47: {  	[sflag:s0] =	ssyncadd.s32 @!p0 s1  }
0x48: {  	[bflag:$0x3] =	sbarrier.arrive $0xFFFF  }
0x49: {  	_ =	shalt  }

</sc_bundles>
